<compile_context>
chip_gen: v7x
topology: tpu7x:2x2x1
jax: 0.10.2.dev20260603
libtpu: 0.0.44.dev20260713+nightly
codegen_flags: <defaults>
</compile_context>

<pallas_src>
import functools

import jax
import jax.numpy as jnp
from jax import lax
from jax.experimental import pallas as pl
from jax.experimental.pallas import tpu as pltpu
from jax.experimental.pallas import tpu_sc as plsc

B, N, D, H, K = 16, 2048, 768, 256, 5
THRESH = 0.5
LANES = 16
CHUNKS = N // LANES
KPAD = 8

_NC = 2
_NS = 16


def _sc_topk_body(pud_hbm, masks_hbm, attn_hbm, emb_hbm,
                  vals_out, idx_out, div_out, attn_out, mask_out, emb_out,
                  pud_v, masks_v, attn_v, masked_v, idx_buf, rows_v,
                  st_vals, st_idx, st_div, st_attn, st_mask, sem):
    c = lax.axis_index("c")
    s = lax.axis_index("s")
    wid = s * _NC + c

    @pl.when(wid < B)
    def _():
        b = wid
        pltpu.sync_copy(pud_hbm.at[b], pud_v)
        pltpu.sync_copy(masks_hbm.at[b], masks_v)
        pltpu.sync_copy(attn_hbm.at[b], attn_v)

        lane = lax.iota(jnp.int32, LANES)

        def _butterfly(mvec, ivec):
            for shift in (8, 4, 2, 1):
                st_vals[...] = mvec
                st_idx[...] = ivec
                perm = jnp.bitwise_xor(lane, shift)
                mv2 = plsc.load_gather(st_vals, [perm])
                iv2 = plsc.load_gather(st_idx, [perm])
                better = (mv2 > mvec) | ((mv2 == mvec) & (iv2 < ivec))
                mvec = jnp.where(better, mv2, mvec)
                ivec = jnp.where(better, iv2, ivec)
            return mvec, ivec

        def _pass1(i, carry):
            mvec, ivec = carry
            v = pud_v[pl.ds(i * LANES, LANES)]
            m = masks_v[pl.ds(i * LANES, LANES)]
            cv = jnp.where(m > 0.5, v, 0.0)
            masked_v[pl.ds(i * LANES, LANES)] = cv
            iv = lane + i * LANES
            gt = cv > mvec
            return jnp.where(gt, cv, mvec), jnp.where(gt, iv, ivec)

        mvec, ivec = lax.fori_loop(
            0, 1, _pass1,
            (jnp.full((LANES,), -1.0, jnp.float32),
             jnp.zeros((LANES,), jnp.int32)), unroll=8)
        mvec, ivec = _butterfly(mvec, ivec)
        vals_acc = jnp.where(lane == 0, mvec, 0.0)
        idx_acc = jnp.where(lane == 0, ivec, 0)
        plsc.store_scatter(masked_v, [ivec],
                           jnp.full((LANES,), -1.0, jnp.float32),
                           mask=lane == 0)

        for r in range(1, K):
            def _scan_chunk(i, carry):
                mvec, ivec = carry
                cv = masked_v[pl.ds(i * LANES, LANES)]
                iv = lane + i * LANES
                gt = cv > mvec
                return jnp.where(gt, cv, mvec), jnp.where(gt, iv, ivec)

            mvec, ivec = lax.fori_loop(
                0, 1, _scan_chunk,
                (jnp.full((LANES,), -1.0, jnp.float32),
                 jnp.zeros((LANES,), jnp.int32)), unroll=8)
            mvec, ivec = _butterfly(mvec, ivec)
            vals_acc = jnp.where(lane == r, mvec, vals_acc)
            idx_acc = jnp.where(lane == r, ivec, idx_acc)
            plsc.store_scatter(masked_v, [ivec],
                               jnp.full((LANES,), -1.0, jnp.float32),
                               mask=lane == 0)

        idx_safe = jnp.where(lane < K, idx_acc, 0)
        st_vals[...] = vals_acc
        st_idx[...] = idx_acc
        st_div[...] = plsc.load_gather(pud_v, [idx_safe])
        st_attn[...] = plsc.load_gather(attn_v, [idx_safe])
        st_mask[...] = plsc.load_gather(masks_v, [idx_safe])

        idx_buf[...] = idx_safe + b * N
        pltpu.async_copy(emb_hbm.at[idx_buf.at[pl.ds(0, KPAD)]], rows_v,
                         sem).wait()

        pltpu.sync_copy(st_vals, vals_out.at[b])
        pltpu.sync_copy(st_idx, idx_out.at[b])
        pltpu.sync_copy(st_div, div_out.at[b])
        pltpu.sync_copy(st_attn, attn_out.at[b])
        pltpu.sync_copy(st_mask, mask_out.at[b])
        pltpu.sync_copy(rows_v, emb_out.at[b])


@functools.cache
def _make_sc_topk():
  return pl.kernel(
    _sc_topk_body,
    out_type=[
        jax.ShapeDtypeStruct((B, LANES), jnp.float32),
        jax.ShapeDtypeStruct((B, LANES), jnp.int32),
        jax.ShapeDtypeStruct((B, LANES), jnp.float32),
        jax.ShapeDtypeStruct((B, LANES), jnp.float32),
        jax.ShapeDtypeStruct((B, LANES), jnp.float32),
        jax.ShapeDtypeStruct((B, KPAD, D), jnp.float32),
    ],
    mesh=plsc.VectorSubcoreMesh(core_axis_name="c", subcore_axis_name="s"),
    compiler_params=pltpu.CompilerParams(needs_layout_passes=False),
    scratch_types=[
        pltpu.VMEM((N,), jnp.float32),
        pltpu.VMEM((N,), jnp.float32),
        pltpu.VMEM((N,), jnp.float32),
        pltpu.VMEM((N,), jnp.float32),
        pltpu.VMEM((LANES,), jnp.int32),
        pltpu.VMEM((KPAD, D), jnp.float32),
        pltpu.VMEM((LANES,), jnp.float32),
        pltpu.VMEM((LANES,), jnp.int32),
        pltpu.VMEM((LANES,), jnp.float32),
        pltpu.VMEM((LANES,), jnp.float32),
        pltpu.VMEM((LANES,), jnp.float32),
        pltpu.SemaphoreType.DMA,
    ],
  )


def _tc_mlp_body(mean_ref, max_ref, w1_ref, b1_ref, w2_ref, b2_ref, w3_ref,
                 b3_ref, u1_ref, ub1_ref, u2_ref, ub2_ref,
                 vals_ref, idx_ref, div_ref, attn_ref, mask_ref, emb_ref,
                 score_out, vals_out, idx_out, probs_out, flag_out, conf_out,
                 attn_out):
    f32 = jnp.float32
    meanv = mean_ref[...]
    maxv = max_ref[...]
    w1 = w1_ref[...]
    const_row = 3.0 * w1[2:3, :] + 0.01 * w1[3:4, :] + b1_ref[...]
    h1 = jnp.maximum(meanv * w1[0:1, :] + maxv * w1[1:2, :] + const_row, 0.0)
    h2 = jnp.maximum(
        jnp.dot(h1, w2_ref[...], preferred_element_type=f32) + b2_ref[...],
        0.0)
    logit = jnp.dot(h2, w3_ref[...], preferred_element_type=f32) + b3_ref[...]
    score_out[...] = 1.0 / (1.0 + jnp.exp(-logit))

    u1a = u1_ref[pl.ds(0, D), :]
    u1row = u1_ref[pl.ds(D, 1), :]
    ub1 = ub1_ref[...]
    u2 = u2_ref[...]
    u2d = u2[:, 1:2] - u2[:, 0:1]
    ub2 = ub2_ref[...]
    ub2d = ub2[:, 1:2] - ub2[:, 0:1]
    divs = div_ref[...]
    pcols = []
    for j in range(K):
        embj = emb_ref[:, j, :]
        uh = jnp.maximum(
            jnp.dot(embj, u1a, preferred_element_type=f32)
            + divs[:, j:j + 1] * u1row + ub1, 0.0)
        ld = jnp.dot(uh, u2d, preferred_element_type=f32) + ub2d
        pcols.append(1.0 / (1.0 + jnp.exp(-ld)))
    probs = jnp.concatenate(pcols, axis=1)
    probs_out[...] = probs

    vals5 = vals_ref[...][:, :K]
    mask5 = mask_ref[...][:, :K]
    flagb = (mask5 > 0.5) & (vals5 > THRESH)
    flag_out[...] = flagb
    flagf = flagb.astype(f32)
    cnt = jnp.sum(flagf, axis=1, keepdims=True)
    sumpf = jnp.sum(probs * flagf, axis=1, keepdims=True)
    avg_conf = jnp.where(cnt > 0, sumpf / jnp.maximum(cnt, 1.0), 0.5)
    sep = (maxv - meanv) / (maxv + 1e-8)
    conf_out[...] = jnp.clip(0.4 * sep + 0.15 + 0.3 * avg_conf, 0.0, 1.0)

    vals_out[...] = vals5
    idx_out[...] = idx_ref[...][:, :K]
    attn_out[...] = attn_ref[...][:, :K]


_tc_mlp = pl.pallas_call(
    _tc_mlp_body,
    out_shape=[
        jax.ShapeDtypeStruct((B, 1), jnp.float32),
        jax.ShapeDtypeStruct((B, K), jnp.float32),
        jax.ShapeDtypeStruct((B, K), jnp.int32),
        jax.ShapeDtypeStruct((B, K), jnp.float32),
        jax.ShapeDtypeStruct((B, K), jnp.bool_),
        jax.ShapeDtypeStruct((B, 1), jnp.float32),
        jax.ShapeDtypeStruct((B, K), jnp.float32),
    ],
)


def kernel(mean_divergence, max_divergence, per_unit_divergence,
           local_embeddings, unit_masks, attention_weights,
           W1, b1, W2, b2, W3, b3, U1, ub1, U2, ub2):
    embf = local_embeddings.reshape(B * N, D)
    vals16, idx16, div16, attn16, mask16, embk = _make_sc_topk()(
        per_unit_divergence, unit_masks, attention_weights, embf)

    score, topk_vals, topk_idx, probs, flag, conf, attn_topk = _tc_mlp(
        mean_divergence.reshape(B, 1), max_divergence.reshape(B, 1),
        W1, b1.reshape(1, H), W2, b2.reshape(1, H // 2), W3, b3.reshape(1, 1),
        U1, ub1.reshape(1, H), U2, ub2.reshape(1, 2),
        vals16, idx16, div16, attn16, mask16, embk)

    return (score.reshape(B), topk_vals, topk_idx, probs, flag,
            conf.reshape(B), attn_topk)

# --- scband reference (transcript-rebuilt; emitter-appended) ---
"""Pipeline reference for scband-divergence-detector-52759378264781 (READ-ONLY COPY).

The authoritative reference and input builder live on the scoring server;
editing this copy changes nothing except your own understanding.
"""

import jax, jax.numpy as jnp
import numpy as np

B, N, D, H, K = 16, 2048, 768, 256, 5
THRESH = 0.5

def setup_inputs(seed: int = 0) -> dict:
    key = jax.random.key(seed)
    ks = jax.random.split(key, 20)
    inp = {}
    inp['mean_divergence'] = jax.random.uniform(ks[0], (B,), dtype=jnp.float32)
    inp['max_divergence'] = jax.random.uniform(ks[1], (B,), dtype=jnp.float32)
    inp['per_unit_divergence'] = jax.random.uniform(ks[2], (B, N), dtype=jnp.float32)
    inp['local_embeddings'] = jax.random.normal(ks[3], (B, N, D), dtype=jnp.float32)
    inp['unit_masks'] = jax.random.uniform(ks[4], (B, N), dtype=jnp.float32)
    inp['attention_weights'] = jax.random.uniform(ks[5], (B, N), dtype=jnp.float32)
    # divergence_scorer: Linear(4,H) -> ReLU -> Linear(H,H//2) -> ReLU -> Linear(H//2,1) -> Sigmoid
    inp['W1'] = jax.random.normal(ks[6], (4, H), dtype=jnp.float32) * 0.02
    inp['b1'] = jnp.zeros((H,), dtype=jnp.float32)
    inp['W2'] = jax.random.normal(ks[7], (H, H // 2), dtype=jnp.float32) * 0.02
    inp['b2'] = jnp.zeros((H // 2,), dtype=jnp.float32)
    inp['W3'] = jax.random.normal(ks[8], (H // 2, 1), dtype=jnp.float32) * 0.02
    inp['b3'] = jnp.zeros((1,), dtype=jnp.float32)
    # unit_anomaly_detector: Linear(D+1,H) -> ReLU -> Linear(H,2)
    inp['U1'] = jax.random.normal(ks[9], (D + 1, H), dtype=jnp.float32) * 0.02
    inp['ub1'] = jnp.zeros((H,), dtype=jnp.float32)
    inp['U2'] = jax.random.normal(ks[10], (H, 2), dtype=jnp.float32) * 0.02
    inp['ub2'] = jnp.zeros((2,), dtype=jnp.float32)
    return inp

def reference(mean_divergence, max_divergence, per_unit_divergence, local_embeddings,
              unit_masks, attention_weights, W1, b1, W2, b2, W3, b3, U1, ub1, U2, ub2):
    # per-sample features: [mean_div, max_div, iterations_to_converge=3, final_drift=0.01]
    iters = jnp.full((B,), 3.0, dtype=jnp.float32)
    drift = jnp.full((B,), 0.01, dtype=jnp.float32)
    feats = jnp.stack([mean_divergence, max_divergence, iters, drift], axis=1)  # [B,4]
    h = jax.nn.relu(feats @ W1 + b1)
    h = jax.nn.relu(h @ W2 + b2)
    div_score = jax.nn.sigmoid(h @ W3 + b3)[:, 0]  # [B]
    # top-k masking over per-unit divergences
    maskf = (unit_masks > 0.5).astype(jnp.float32)
    masked = per_unit_divergence * maskf
    topk_vals, topk_idx = jax.lax.top_k(masked, K)  # [B,K]
    emb_topk = jnp.take_along_axis(local_embeddings, topk_idx[:, :, None], axis=1)  # [B,K,D]
    div_topk = jnp.take_along_axis(per_unit_divergence, topk_idx, axis=1)  # [B,K] (unmasked, as in torch)
    unit_feats = jnp.concatenate([emb_topk, div_topk[..., None]], axis=-1)  # [B,K,D+1]
    uh = jax.nn.relu(unit_feats @ U1 + ub1)
    logits = uh @ U2 + ub2  # [B,K,2]
    probs = jax.nn.softmax(logits, axis=-1)[..., 1]  # [B,K]
    mask_topk = jnp.take_along_axis(maskf, topk_idx, axis=1)
    flag = (mask_topk > 0.5) & (topk_vals > THRESH)  # [B,K]
    flagf = flag.astype(jnp.float32)
    cnt = jnp.sum(flagf, axis=1)
    avg_conf = jnp.where(cnt > 0, jnp.sum(probs * flagf, axis=1) / jnp.maximum(cnt, 1.0), 0.5)
    separation = (max_divergence - mean_divergence) / (max_divergence + 1e-8)
    conv_penalty = jnp.minimum(3.0 / 6.0, 1.0)
    confidence = jnp.clip(0.4 * separation + 0.3 * conv_penalty + 0.3 * avg_conf, 0.0, 1.0)
    attn_topk = jnp.take_along_axis(attention_weights, topk_idx, axis=1)
    return (div_score, topk_vals, topk_idx, probs, flag, confidence, attn_topk)

if __name__ == "__main__":
    import jax
    _d = setup_inputs()
    print(jax.jit(kernel)(*tuple(_d.values())))

</pallas_src>

<mosaic_0001>
#map = affine_map<(d0, d1) -> (0, 0)>
#map1 = affine_map<(d0, d1) -> (0, 0, 0)>
module attributes {stable_mosaic.version = 14 : i64} {
  func.func @_sc_topk_body(%arg0: i32, %arg1: i32, %arg2: memref<16x2048xf32, #tpu.memory_space<hbm>>, %arg3: memref<16x2048xf32, #tpu.memory_space<hbm>>, %arg4: memref<16x2048xf32, #tpu.memory_space<hbm>>, %arg5: memref<32768x768xf32, #tpu.memory_space<hbm>>, %arg6: memref<16x16xf32, #tpu.memory_space<hbm>>, %arg7: memref<16x16xi32, #tpu.memory_space<hbm>>, %arg8: memref<16x16xf32, #tpu.memory_space<hbm>>, %arg9: memref<16x16xf32, #tpu.memory_space<hbm>>, %arg10: memref<16x16xf32, #tpu.memory_space<hbm>>, %arg11: memref<16x8x768xf32, #tpu.memory_space<hbm>>, %arg12: memref<2048xf32, #tpu.memory_space<vmem>>, %arg13: memref<2048xf32, #tpu.memory_space<vmem>>, %arg14: memref<2048xf32, #tpu.memory_space<vmem>>, %arg15: memref<2048xf32, #tpu.memory_space<vmem>>, %arg16: memref<16xi32, #tpu.memory_space<vmem>>, %arg17: memref<8x768xf32, #tpu.memory_space<vmem>>, %arg18: memref<16xf32, #tpu.memory_space<vmem>>, %arg19: memref<16xi32, #tpu.memory_space<vmem>>, %arg20: memref<16xf32, #tpu.memory_space<vmem>>, %arg21: memref<16xf32, #tpu.memory_space<vmem>>, %arg22: memref<16xf32, #tpu.memory_space<vmem>>, %arg23: memref<!tpu.dma_semaphore, #tpu.memory_space<semaphore_mem>>) attributes {dimension_semantics = [#tpu.dimension_semantics<core_parallel>, #tpu.dimension_semantics<subcore_parallel>], iteration_bounds = array<i64: 2, 16>, scalar_prefetch = 0 : i64, scratch_operands = 12 : i64, tpu.core_type = #tpu.core_type<sc_vector_subcore>, window_params = [{transform_indices = #map}, {transform_indices = #map}, {transform_indices = #map}, {transform_indices = #map}, {transform_indices = #map}, {transform_indices = #map}, {transform_indices = #map}, {transform_indices = #map}, {transform_indices = #map}, {transform_indices = #map1}]} {
    %mul3A = arith.constant 2 : i32
    %mul3A_0 = arith.muli %arg1, %mul3A : i32
    %add3A = arith.addi %mul3A_0, %arg0 : i32
    %lt3A = arith.constant 16 : i32
    %lt3A_1 = arith.cmpi slt, %add3A, %lt3A : i32
    %convert_element_type3A = arith.extui %lt3A_1 : i1 to i32
    %cond3A = arith.constant 0 : i32
    %cond3A_2 = arith.cmpi ne, %convert_element_type3A, %cond3A : i32
    scf.if %cond3A_2 {
      "tpu.region"() ({
        %run_scoped3A = tpu.sem_alloc : memref<!tpu.dma_semaphore, #tpu.memory_space<semaphore_mem>>
        %dma_start3A_532 = arith.constant 0 : i32
        %dma_start3A_533 = tpu.memref_slice %arg2[%add3A, %dma_start3A_532] : memref<16x2048xf32, #tpu.memory_space<hbm>> -> memref<1x2048xf32, #tpu.memory_space<hbm>>
        %dma_start3A_534 = tpu.memref_squeeze %dma_start3A_533 : memref<1x2048xf32, #tpu.memory_space<hbm>> -> memref<2048xf32, #tpu.memory_space<hbm>>
        %dma_start3A_535 = arith.constant 0 : i32
        %dma_start3A_536 = tpu.memref_slice %arg2[%add3A, %dma_start3A_535] : memref<16x2048xf32, #tpu.memory_space<hbm>> -> memref<1x2048xf32, #tpu.memory_space<hbm>>
        %dma_start3A_537 = tpu.memref_squeeze %dma_start3A_536 : memref<1x2048xf32, #tpu.memory_space<hbm>> -> memref<2048xf32, #tpu.memory_space<hbm>>
        tpu.enqueue_dma source(%dma_start3A_537 : memref<2048xf32, #tpu.memory_space<hbm>>) target(%arg12 : memref<2048xf32, #tpu.memory_space<vmem>>) target_semaphore(%run_scoped3A : memref<!tpu.dma_semaphore, #tpu.memory_space<semaphore_mem>>)
        %dma_wait3A_538 = arith.constant 0 : i32
        %dma_wait3A_539 = tpu.memref_slice %arg2[%add3A, %dma_wait3A_538] : memref<16x2048xf32, #tpu.memory_space<hbm>> -> memref<1x2048xf32, #tpu.memory_space<hbm>>
        %dma_wait3A_540 = tpu.memref_squeeze %dma_wait3A_539 : memref<1x2048xf32, #tpu.memory_space<hbm>> -> memref<2048xf32, #tpu.memory_space<hbm>>
        %dma_wait3A_541 = arith.constant 0 : i32
        %dma_wait3A_542 = tpu.memref_slice %arg2[%add3A, %dma_wait3A_541] : memref<16x2048xf32, #tpu.memory_space<hbm>> -> memref<1x2048xf32, #tpu.memory_space<hbm>>
        %dma_wait3A_543 = tpu.memref_squeeze %dma_wait3A_542 : memref<1x2048xf32, #tpu.memory_space<hbm>> -> memref<2048xf32, #tpu.memory_space<hbm>>
        tpu.wait_dma2 semaphore(%run_scoped3A : memref<!tpu.dma_semaphore, #tpu.memory_space<semaphore_mem>>) src(%dma_wait3A_543 : memref<2048xf32, #tpu.memory_space<hbm>>) dst(%arg12 : memref<2048xf32, #tpu.memory_space<vmem>>)
        tpu.yield
      }) : () -> ()
      "tpu.region"() ({
        %run_scoped3A = tpu.sem_alloc : memref<!tpu.dma_semaphore, #tpu.memory_space<semaphore_mem>>
        %dma_start3A_532 = arith.constant 0 : i32
        %dma_start3A_533 = tpu.memref_slice %arg3[%add3A, %dma_start3A_532] : memref<16x2048xf32, #tpu.memory_space<hbm>> -> memref<1x2048xf32, #tpu.memory_space<hbm>>
        %dma_start3A_534 = tpu.memref_squeeze %dma_start3A_533 : memref<1x2048xf32, #tpu.memory_space<hbm>> -> memref<2048xf32, #tpu.memory_space<hbm>>
        %dma_start3A_535 = arith.constant 0 : i32
        %dma_start3A_536 = tpu.memref_slice %arg3[%add3A, %dma_start3A_535] : memref<16x2048xf32, #tpu.memory_space<hbm>> -> memref<1x2048xf32, #tpu.memory_space<hbm>>
        %dma_start3A_537 = tpu.memref_squeeze %dma_start3A_536 : memref<1x2048xf32, #tpu.memory_space<hbm>> -> memref<2048xf32, #tpu.memory_space<hbm>>
        tpu.enqueue_dma source(%dma_start3A_537 : memref<2048xf32, #tpu.memory_space<hbm>>) target(%arg13 : memref<2048xf32, #tpu.memory_space<vmem>>) target_semaphore(%run_scoped3A : memref<!tpu.dma_semaphore, #tpu.memory_space<semaphore_mem>>)
        %dma_wait3A_538 = arith.constant 0 : i32
        %dma_wait3A_539 = tpu.memref_slice %arg3[%add3A, %dma_wait3A_538] : memref<16x2048xf32, #tpu.memory_space<hbm>> -> memref<1x2048xf32, #tpu.memory_space<hbm>>
        %dma_wait3A_540 = tpu.memref_squeeze %dma_wait3A_539 : memref<1x2048xf32, #tpu.memory_space<hbm>> -> memref<2048xf32, #tpu.memory_space<hbm>>
        %dma_wait3A_541 = arith.constant 0 : i32
        %dma_wait3A_542 = tpu.memref_slice %arg3[%add3A, %dma_wait3A_541] : memref<16x2048xf32, #tpu.memory_space<hbm>> -> memref<1x2048xf32, #tpu.memory_space<hbm>>
        %dma_wait3A_543 = tpu.memref_squeeze %dma_wait3A_542 : memref<1x2048xf32, #tpu.memory_space<hbm>> -> memref<2048xf32, #tpu.memory_space<hbm>>
        tpu.wait_dma2 semaphore(%run_scoped3A : memref<!tpu.dma_semaphore, #tpu.memory_space<semaphore_mem>>) src(%dma_wait3A_543 : memref<2048xf32, #tpu.memory_space<hbm>>) dst(%arg13 : memref<2048xf32, #tpu.memory_space<vmem>>)
        tpu.yield
      }) : () -> ()
      "tpu.region"() ({
        %run_scoped3A = tpu.sem_alloc : memref<!tpu.dma_semaphore, #tpu.memory_space<semaphore_mem>>
        %dma_start3A_532 = arith.constant 0 : i32
        %dma_start3A_533 = tpu.memref_slice %arg4[%add3A, %dma_start3A_532] : memref<16x2048xf32, #tpu.memory_space<hbm>> -> memref<1x2048xf32, #tpu.memory_space<hbm>>
        %dma_start3A_534 = tpu.memref_squeeze %dma_start3A_533 : memref<1x2048xf32, #tpu.memory_space<hbm>> -> memref<2048xf32, #tpu.memory_space<hbm>>
        %dma_start3A_535 = arith.constant 0 : i32
        %dma_start3A_536 = tpu.memref_slice %arg4[%add3A, %dma_start3A_535] : memref<16x2048xf32, #tpu.memory_space<hbm>> -> memref<1x2048xf32, #tpu.memory_space<hbm>>
        %dma_start3A_537 = tpu.memref_squeeze %dma_start3A_536 : memref<1x2048xf32, #tpu.memory_space<hbm>> -> memref<2048xf32, #tpu.memory_space<hbm>>
        tpu.enqueue_dma source(%dma_start3A_537 : memref<2048xf32, #tpu.memory_space<hbm>>) target(%arg14 : memref<2048xf32, #tpu.memory_space<vmem>>) target_semaphore(%run_scoped3A : memref<!tpu.dma_semaphore, #tpu.memory_space<semaphore_mem>>)
        %dma_wait3A_538 = arith.constant 0 : i32
        %dma_wait3A_539 = tpu.memref_slice %arg4[%add3A, %dma_wait3A_538] : memref<16x2048xf32, #tpu.memory_space<hbm>> -> memref<1x2048xf32, #tpu.memory_space<hbm>>
        %dma_wait3A_540 = tpu.memref_squeeze %dma_wait3A_539 : memref<1x2048xf32, #tpu.memory_space<hbm>> -> memref<2048xf32, #tpu.memory_space<hbm>>
        %dma_wait3A_541 = arith.constant 0 : i32
        %dma_wait3A_542 = tpu.memref_slice %arg4[%add3A, %dma_wait3A_541] : memref<16x2048xf32, #tpu.memory_space<hbm>> -> memref<1x2048xf32, #tpu.memory_space<hbm>>
        %dma_wait3A_543 = tpu.memref_squeeze %dma_wait3A_542 : memref<1x2048xf32, #tpu.memory_space<hbm>> -> memref<2048xf32, #tpu.memory_space<hbm>>
        tpu.wait_dma2 semaphore(%run_scoped3A : memref<!tpu.dma_semaphore, #tpu.memory_space<semaphore_mem>>) src(%dma_wait3A_543 : memref<2048xf32, #tpu.memory_space<hbm>>) dst(%arg14 : memref<2048xf32, #tpu.memory_space<vmem>>)
        tpu.yield
      }) : () -> ()
      %iota3A = tpu.iota {dimensions = array<i32: 0>} : vector<16xi32>
      %broadcast_in_dim3A = arith.constant -1.000000e+00 : f32
      %broadcast_in_dim3A_3 = vector.broadcast %broadcast_in_dim3A : f32 to vector<16xf32>
      %broadcast_in_dim3A_4 = arith.constant 0 : i32
      %broadcast_in_dim3A_5 = vector.broadcast %broadcast_in_dim3A_4 : i32 to vector<16xi32>
      %scan3A = arith.constant 0 : i32
      %scan3A_6 = arith.constant 0 : i32
      %scan3A_7 = arith.addi %scan3A, %scan3A_6 : i32
      %scan3A_8 = arith.constant 0 : i32
      %scan3A_9 = arith.addi %scan3A, %scan3A_8 : i32
      %mul3A_10 = arith.constant 16 : i32
      %mul3A_11 = arith.muli %scan3A_9, %mul3A_10 : i32
      %get3A = arith.index_cast %mul3A_11 : i32 to index
      %get3A_12 = tpu.vector_load %arg12[%get3A] {strides = array<i32>} : memref<2048xf32, #tpu.memory_space<vmem>>, vector<16xf32>,
      %mul3A_13 = arith.constant 16 : i32
      %mul3A_14 = arith.muli %scan3A_9, %mul3A_13 : i32
      %get3A_15 = arith.index_cast %mul3A_14 : i32 to index
      %get3A_16 = tpu.vector_load %arg13[%get3A_15] {strides = array<i32>} : memref<2048xf32, #tpu.memory_space<vmem>>, vector<16xf32>,
      %gt3A = arith.constant 5.000000e-01 : f32
      %gt3A_17 = vector.broadcast %gt3A : f32 to vector<16xf32>
      %gt3A_18 = arith.cmpf ogt, %get3A_16, %gt3A_17 : vector<16xf32>
      %jit3A = arith.constant 0.000000e+00 : f32
      %broadcast_in_dim3A_19 = vector.broadcast %jit3A : f32 to vector<16xf32>
      %select_n3A = arith.select %gt3A_18, %get3A_12, %broadcast_in_dim3A_19 : vector<16xi1>, vector<16xf32>
      %mul3A_20 = arith.constant 16 : i32
      %mul3A_21 = arith.muli %scan3A_9, %mul3A_20 : i32
      %swap3A = arith.index_cast %mul3A_21 : i32 to index
      %swap3A_22 = tpu.vector_load %arg15[%swap3A] {strides = array<i32>} : memref<2048xf32, #tpu.memory_space<vmem>>, vector<16xf32>,
      tpu.vector_store %arg15[%swap3A], %select_n3A {strides = array<i32>} : memref<2048xf32, #tpu.memory_space<vmem>>, vector<16xf32>,
      %mul3A_23 = arith.constant 16 : i32
      %mul3A_24 = arith.muli %scan3A_9, %mul3A_23 : i32
      %add3A_25 = vector.broadcast %mul3A_24 : i32 to vector<16xi32>
      %add3A_26 = arith.addi %iota3A, %add3A_25 : vector<16xi32>
      %gt3A_27 = arith.cmpf ogt, %select_n3A, %broadcast_in_dim3A_3 : vector<16xf32>
      %select_n3A_28 = arith.select %gt3A_27, %select_n3A, %broadcast_in_dim3A_3 : vector<16xi1>, vector<16xf32>
      %select_n3A_29 = arith.select %gt3A_27, %add3A_26, %broadcast_in_dim3A_5 : vector<16xi1>, vector<16xi32>
      %scan3A_30 = arith.constant 1 : i32
      %swap3A_31 = arith.constant 0 : index
      %swap3A_32 = tpu.vector_load %arg18[%swap3A_31] {strides = array<i32>} : memref<16xf32, #tpu.memory_space<vmem>>, vector<16xf32>,
      tpu.vector_store %arg18[%swap3A_31], %select_n3A_28 {strides = array<i32>} : memref<16xf32, #tpu.memory_space<vmem>>, vector<16xf32>,
      %swap3A_33 = arith.constant 0 : index
      %swap3A_34 = tpu.vector_load %arg19[%swap3A_33] {strides = array<i32>} : memref<16xi32, #tpu.memory_space<vmem>>, vector<16xi32>,
      tpu.vector_store %arg19[%swap3A_33], %select_n3A_29 {strides = array<i32>} : memref<16xi32, #tpu.memory_space<vmem>>, vector<16xi32>,
      %xor3A = arith.constant 8 : i32
      %xor3A_35 = vector.broadcast %xor3A : i32 to vector<16xi32>
      %xor3A_36 = arith.xori %iota3A, %xor3A_35 : vector<16xi32>
      %gather3A = tpu.vector_load_idx %arg18[%xor3A_36] : memref<16xf32, #tpu.memory_space<vmem>>[vector<16xi32>], vector<16xf32>,
      %gather3A_37 = tpu.vector_load_idx %arg19[%xor3A_36] : memref<16xi32, #tpu.memory_space<vmem>>[vector<16xi32>], vector<16xi32>,
      %gt3A_38 = arith.cmpf ogt, %gather3A, %select_n3A_28 : vector<16xf32>
      %eq3A = arith.cmpf oeq, %gather3A, %select_n3A_28 : vector<16xf32>
      %lt3A_39 = arith.cmpi slt, %gather3A_37, %select_n3A_29 : vector<16xi32>
      %and3A = arith.andi %eq3A, %lt3A_39 : vector<16xi1>
      %or3A = arith.ori %gt3A_38, %and3A : vector<16xi1>
      %select_n3A_40 = arith.select %or3A, %gather3A, %select_n3A_28 : vector<16xi1>, vector<16xf32>
      %select_n3A_41 = arith.select %or3A, %gather3A_37, %select_n3A_29 : vector<16xi1>, vector<16xi32>
      %swap3A_42 = arith.constant 0 : index
      %swap3A_43 = tpu.vector_load %arg18[%swap3A_42] {strides = array<i32>} : memref<16xf32, #tpu.memory_space<vmem>>, vector<16xf32>,
      tpu.vector_store %arg18[%swap3A_42], %select_n3A_40 {strides = array<i32>} : memref<16xf32, #tpu.memory_space<vmem>>, vector<16xf32>,
      %swap3A_44 = arith.constant 0 : index
      %swap3A_45 = tpu.vector_load %arg19[%swap3A_44] {strides = array<i32>} : memref<16xi32, #tpu.memory_space<vmem>>, vector<16xi32>,
      tpu.vector_store %arg19[%swap3A_44], %select_n3A_41 {strides = array<i32>} : memref<16xi32, #tpu.memory_space<vmem>>, vector<16xi32>,
      %xor3A_46 = arith.constant 4 : i32
      %xor3A_47 = vector.broadcast %xor3A_46 : i32 to vector<16xi32>
      %xor3A_48 = arith.xori %iota3A, %xor3A_47 : vector<16xi32>
      %gather3A_49 = tpu.vector_load_idx %arg18[%xor3A_48] : memref<16xf32, #tpu.memory_space<vmem>>[vector<16xi32>], vector<16xf32>,
      %gather3A_50 = tpu.vector_load_idx %arg19[%xor3A_48] : memref<16xi32, #tpu.memory_space<vmem>>[vector<16xi32>], vector<16xi32>,
      %gt3A_51 = arith.cmpf ogt, %gather3A_49, %select_n3A_40 : vector<16xf32>
      %eq3A_52 = arith.cmpf oeq, %gather3A_49, %select_n3A_40 : vector<16xf32>
      %lt3A_53 = arith.cmpi slt, %gather3A_50, %select_n3A_41 : vector<16xi32>
      %and3A_54 = arith.andi %eq3A_52, %lt3A_53 : vector<16xi1>
      %or3A_55 = arith.ori %gt3A_51, %and3A_54 : vector<16xi1>
      %select_n3A_56 = arith.select %or3A_55, %gather3A_49, %select_n3A_40 : vector<16xi1>, vector<16xf32>
      %select_n3A_57 = arith.select %or3A_55, %gather3A_50, %select_n3A_41 : vector<16xi1>, vector<16xi32>
      %swap3A_58 = arith.constant 0 : index
      %swap3A_59 = tpu.vector_load %arg18[%swap3A_58] {strides = array<i32>} : memref<16xf32, #tpu.memory_space<vmem>>, vector<16xf32>,
      tpu.vector_store %arg18[%swap3A_58], %select_n3A_56 {strides = array<i32>} : memref<16xf32, #tpu.memory_space<vmem>>, vector<16xf32>,
      %swap3A_60 = arith.constant 0 : index
      %swap3A_61 = tpu.vector_load %arg19[%swap3A_60] {strides = array<i32>} : memref<16xi32, #tpu.memory_space<vmem>>, vector<16xi32>,
      tpu.vector_store %arg19[%swap3A_60], %select_n3A_57 {strides = array<i32>} : memref<16xi32, #tpu.memory_space<vmem>>, vector<16xi32>,
      %xor3A_62 = arith.constant 2 : i32
      %xor3A_63 = vector.broadcast %xor3A_62 : i32 to vector<16xi32>
      %xor3A_64 = arith.xori %iota3A, %xor3A_63 : vector<16xi32>
      %gather3A_65 = tpu.vector_load_idx %arg18[%xor3A_64] : memref<16xf32, #tpu.memory_space<vmem>>[vector<16xi32>], vector<16xf32>,
      %gather3A_66 = tpu.vector_load_idx %arg19[%xor3A_64] : memref<16xi32, #tpu.memory_space<vmem>>[vector<16xi32>], vector<16xi32>,
      %gt3A_67 = arith.cmpf ogt, %gather3A_65, %select_n3A_56 : vector<16xf32>
      %eq3A_68 = arith.cmpf oeq, %gather3A_65, %select_n3A_56 : vector<16xf32>
      %lt3A_69 = arith.cmpi slt, %gather3A_66, %select_n3A_57 : vector<16xi32>
      %and3A_70 = arith.andi %eq3A_68, %lt3A_69 : vector<16xi1>
      %or3A_71 = arith.ori %gt3A_67, %and3A_70 : vector<16xi1>
      %select_n3A_72 = arith.select %or3A_71, %gather3A_65, %select_n3A_56 : vector<16xi1>, vector<16xf32>
      %select_n3A_73 = arith.select %or3A_71, %gather3A_66, %select_n3A_57 : vector<16xi1>, vector<16xi32>
      %swap3A_74 = arith.constant 0 : index
      %swap3A_75 = tpu.vector_load %arg18[%swap3A_74] {strides = array<i32>} : memref<16xf32, #tpu.memory_space<vmem>>, vector<16xf32>,
      tpu.vector_store %arg18[%swap3A_74], %select_n3A_72 {strides = array<i32>} : memref<16xf32, #tpu.memory_space<vmem>>, vector<16xf32>,
      %swap3A_76 = arith.constant 0 : index
      %swap3A_77 = tpu.vector_load %arg19[%swap3A_76] {strides = array<i32>} : memref<16xi32, #tpu.memory_space<vmem>>, vector<16xi32>,
      tpu.vector_store %arg19[%swap3A_76], %select_n3A_73 {strides = array<i32>} : memref<16xi32, #tpu.memory_space<vmem>>, vector<16xi32>,
      %xor3A_78 = arith.constant 1 : i32
      %xor3A_79 = vector.broadcast %xor3A_78 : i32 to vector<16xi32>
      %xor3A_80 = arith.xori %iota3A, %xor3A_79 : vector<16xi32>
      %gather3A_81 = tpu.vector_load_idx %arg18[%xor3A_80] : memref<16xf32, #tpu.memory_space<vmem>>[vector<16xi32>], vector<16xf32>,
      %gather3A_82 = tpu.vector_load_idx %arg19[%xor3A_80] : memref<16xi32, #tpu.memory_space<vmem>>[vector<16xi32>], vector<16xi32>,
      %gt3A_83 = arith.cmpf ogt, %gather3A_81, %select_n3A_72 : vector<16xf32>
      %eq3A_84 = arith.cmpf oeq, %gather3A_81, %select_n3A_72 : vector<16xf32>
      %lt3A_85 = arith.cmpi slt, %gather3A_82, %select_n3A_73 : vector<16xi32>
      %and3A_86 = arith.andi %eq3A_84, %lt3A_85 : vector<16xi1>
      %or3A_87 = arith.ori %gt3A_83, %and3A_86 : vector<16xi1>
      %select_n3A_88 = arith.select %or3A_87, %gather3A_81, %select_n3A_72 : vector<16xi1>, vector<16xf32>
      %select_n3A_89 = arith.select %or3A_87, %gather3A_82, %select_n3A_73 : vector<16xi1>, vector<16xi32>
      %eq3A_90 = arith.constant 0 : i32
      %eq3A_91 = vector.broadcast %eq3A_90 : i32 to vector<16xi32>
      %eq3A_92 = arith.cmpi eq, %iota3A, %eq3A_91 : vector<16xi32>
      %jit3A_93 = arith.constant 0.000000e+00 : f32
      %broadcast_in_dim3A_94 = vector.broadcast %jit3A_93 : f32 to vector<16xf32>
      %select_n3A_95 = arith.select %eq3A_92, %select_n3A_88, %broadcast_in_dim3A_94 : vector<16xi1>, vector<16xf32>
      %eq3A_96 = arith.constant 0 : i32
      %eq3A_97 = vector.broadcast %eq3A_96 : i32 to vector<16xi32>
      %eq3A_98 = arith.cmpi eq, %iota3A, %eq3A_97 : vector<16xi32>
      %jit3A_99 = arith.constant 0 : i32
      %broadcast_in_dim3A_100 = vector.broadcast %jit3A_99 : i32 to vector<16xi32>
      %select_n3A_101 = arith.select %eq3A_98, %select_n3A_89, %broadcast_in_dim3A_100 : vector<16xi1>, vector<16xi32>
      %broadcast_in_dim3A_102 = arith.constant -1.000000e+00 : f32
      %broadcast_in_dim3A_103 = vector.broadcast %broadcast_in_dim3A_102 : f32 to vector<16xf32>
      %eq3A_104 = arith.constant 0 : i32
      %eq3A_105 = vector.broadcast %eq3A_104 : i32 to vector<16xi32>
      %eq3A_106 = arith.cmpi eq, %iota3A, %eq3A_105 : vector<16xi32>
      tpu.vector_store_idx %arg15[%select_n3A_89], %broadcast_in_dim3A_103 masked %eq3A_106 : memref<2048xf32, #tpu.memory_space<vmem>>[vector<16xi32>], vector<16xf32>, vector<16xi1>
      %broadcast_in_dim3A_107 = arith.constant -1.000000e+00 : f32
      %broadcast_in_dim3A_108 = vector.broadcast %broadcast_in_dim3A_107 : f32 to vector<16xf32>
      %broadcast_in_dim3A_109 = arith.constant 0 : i32
      %broadcast_in_dim3A_110 = vector.broadcast %broadcast_in_dim3A_109 : i32 to vector<16xi32>
      %scan3A_111 = arith.constant 0 : i32
      %scan3A_112 = arith.constant 0 : i32
      %scan3A_113 = arith.addi %scan3A_111, %scan3A_112 : i32
      %scan3A_114 = arith.constant 0 : i32
      %scan3A_115 = arith.addi %scan3A_111, %scan3A_114 : i32
      %mul3A_116 = arith.constant 16 : i32
      %mul3A_117 = arith.muli %scan3A_115, %mul3A_116 : i32
      %get3A_118 = arith.index_cast %mul3A_117 : i32 to index
      %get3A_119 = tpu.vector_load %arg15[%get3A_118] {strides = array<i32>} : memref<2048xf32, #tpu.memory_space<vmem>>, vector<16xf32>,
      %mul3A_120 = arith.constant 16 : i32
      %mul3A_121 = arith.muli %scan3A_115, %mul3A_120 : i32
      %add3A_122 = vector.broadcast %mul3A_121 : i32 to vector<16xi32>
      %add3A_123 = arith.addi %iota3A, %add3A_122 : vector<16xi32>
      %gt3A_124 = arith.cmpf ogt, %get3A_119, %broadcast_in_dim3A_108 : vector<16xf32>
      %select_n3A_125 = arith.select %gt3A_124, %get3A_119, %broadcast_in_dim3A_108 : vector<16xi1>, vector<16xf32>
      %select_n3A_126 = arith.select %gt3A_124, %add3A_123, %broadcast_in_dim3A_110 : vector<16xi1>, vector<16xi32>
      %scan3A_127 = arith.constant 1 : i32
      %swap3A_128 = arith.constant 0 : index
      %swap3A_129 = tpu.vector_load %arg18[%swap3A_128] {strides = array<i32>} : memref<16xf32, #tpu.memory_space<vmem>>, vector<16xf32>,
      tpu.vector_store %arg18[%swap3A_128], %select_n3A_125 {strides = array<i32>} : memref<16xf32, #tpu.memory_space<vmem>>, vector<16xf32>,
      %swap3A_130 = arith.constant 0 : index
      %swap3A_131 = tpu.vector_load %arg19[%swap3A_130] {strides = array<i32>} : memref<16xi32, #tpu.memory_space<vmem>>, vector<16xi32>,
      tpu.vector_store %arg19[%swap3A_130], %select_n3A_126 {strides = array<i32>} : memref<16xi32, #tpu.memory_space<vmem>>, vector<16xi32>,
      %xor3A_132 = arith.constant 8 : i32
      %xor3A_133 = vector.broadcast %xor3A_132 : i32 to vector<16xi32>
      %xor3A_134 = arith.xori %iota3A, %xor3A_133 : vector<16xi32>
      %gather3A_135 = tpu.vector_load_idx %arg18[%xor3A_134] : memref<16xf32, #tpu.memory_space<vmem>>[vector<16xi32>], vector<16xf32>,
      %gather3A_136 = tpu.vector_load_idx %arg19[%xor3A_134] : memref<16xi32, #tpu.memory_space<vmem>>[vector<16xi32>], vector<16xi32>,
      %gt3A_137 = arith.cmpf ogt, %gather3A_135, %select_n3A_125 : vector<16xf32>
      %eq3A_138 = arith.cmpf oeq, %gather3A_135, %select_n3A_125 : vector<16xf32>
      %lt3A_139 = arith.cmpi slt, %gather3A_136, %select_n3A_126 : vector<16xi32>
      %and3A_140 = arith.andi %eq3A_138, %lt3A_139 : vector<16xi1>
      %or3A_141 = arith.ori %gt3A_137, %and3A_140 : vector<16xi1>
      %select_n3A_142 = arith.select %or3A_141, %gather3A_135, %select_n3A_125 : vector<16xi1>, vector<16xf32>
      %select_n3A_143 = arith.select %or3A_141, %gather3A_136, %select_n3A_126 : vector<16xi1>, vector<16xi32>
      %swap3A_144 = arith.constant 0 : index
      %swap3A_145 = tpu.vector_load %arg18[%swap3A_144] {strides = array<i32>} : memref<16xf32, #tpu.memory_space<vmem>>, vector<16xf32>,
      tpu.vector_store %arg18[%swap3A_144], %select_n3A_142 {strides = array<i32>} : memref<16xf32, #tpu.memory_space<vmem>>, vector<16xf32>,
      %swap3A_146 = arith.constant 0 : index
      %swap3A_147 = tpu.vector_load %arg19[%swap3A_146] {strides = array<i32>} : memref<16xi32, #tpu.memory_space<vmem>>, vector<16xi32>,
      tpu.vector_store %arg19[%swap3A_146], %select_n3A_143 {strides = array<i32>} : memref<16xi32, #tpu.memory_space<vmem>>, vector<16xi32>,
      %xor3A_148 = arith.constant 4 : i32
      %xor3A_149 = vector.broadcast %xor3A_148 : i32 to vector<16xi32>
      %xor3A_150 = arith.xori %iota3A, %xor3A_149 : vector<16xi32>
      %gather3A_151 = tpu.vector_load_idx %arg18[%xor3A_150] : memref<16xf32, #tpu.memory_space<vmem>>[vector<16xi32>], vector<16xf32>,
      %gather3A_152 = tpu.vector_load_idx %arg19[%xor3A_150] : memref<16xi32, #tpu.memory_space<vmem>>[vector<16xi32>], vector<16xi32>,
      %gt3A_153 = arith.cmpf ogt, %gather3A_151, %select_n3A_142 : vector<16xf32>
      %eq3A_154 = arith.cmpf oeq, %gather3A_151, %select_n3A_142 : vector<16xf32>
      %lt3A_155 = arith.cmpi slt, %gather3A_152, %select_n3A_143 : vector<16xi32>
      %and3A_156 = arith.andi %eq3A_154, %lt3A_155 : vector<16xi1>
      %or3A_157 = arith.ori %gt3A_153, %and3A_156 : vector<16xi1>
      %select_n3A_158 = arith.select %or3A_157, %gather3A_151, %select_n3A_142 : vector<16xi1>, vector<16xf32>
      %select_n3A_159 = arith.select %or3A_157, %gather3A_152, %select_n3A_143 : vector<16xi1>, vector<16xi32>
      %swap3A_160 = arith.constant 0 : index
      %swap3A_161 = tpu.vector_load %arg18[%swap3A_160] {strides = array<i32>} : memref<16xf32, #tpu.memory_space<vmem>>, vector<16xf32>,
      tpu.vector_store %arg18[%swap3A_160], %select_n3A_158 {strides = array<i32>} : memref<16xf32, #tpu.memory_space<vmem>>, vector<16xf32>,
      %swap3A_162 = arith.constant 0 : index
      %swap3A_163 = tpu.vector_load %arg19[%swap3A_162] {strides = array<i32>} : memref<16xi32, #tpu.memory_space<vmem>>, vector<16xi32>,
      tpu.vector_store %arg19[%swap3A_162], %select_n3A_159 {strides = array<i32>} : memref<16xi32, #tpu.memory_space<vmem>>, vector<16xi32>,
      %xor3A_164 = arith.constant 2 : i32
      %xor3A_165 = vector.broadcast %xor3A_164 : i32 to vector<16xi32>
      %xor3A_166 = arith.xori %iota3A, %xor3A_165 : vector<16xi32>
      %gather3A_167 = tpu.vector_load_idx %arg18[%xor3A_166] : memref<16xf32, #tpu.memory_space<vmem>>[vector<16xi32>], vector<16xf32>,
      %gather3A_168 = tpu.vector_load_idx %arg19[%xor3A_166] : memref<16xi32, #tpu.memory_space<vmem>>[vector<16xi32>], vector<16xi32>,
      %gt3A_169 = arith.cmpf ogt, %gather3A_167, %select_n3A_158 : vector<16xf32>
      %eq3A_170 = arith.cmpf oeq, %gather3A_167, %select_n3A_158 : vector<16xf32>
      %lt3A_171 = arith.cmpi slt, %gather3A_168, %select_n3A_159 : vector<16xi32>
      %and3A_172 = arith.andi %eq3A_170, %lt3A_171 : vector<16xi1>
      %or3A_173 = arith.ori %gt3A_169, %and3A_172 : vector<16xi1>
      %select_n3A_174 = arith.select %or3A_173, %gather3A_167, %select_n3A_158 : vector<16xi1>, vector<16xf32>
      %select_n3A_175 = arith.select %or3A_173, %gather3A_168, %select_n3A_159 : vector<16xi1>, vector<16xi32>
      %swap3A_176 = arith.constant 0 : index
      %swap3A_177 = tpu.vector_load %arg18[%swap3A_176] {strides = array<i32>} : memref<16xf32, #tpu.memory_space<vmem>>, vector<16xf32>,
      tpu.vector_store %arg18[%swap3A_176], %select_n3A_174 {strides = array<i32>} : memref<16xf32, #tpu.memory_space<vmem>>, vector<16xf32>,
      %swap3A_178 = arith.constant 0 : index
      %swap3A_179 = tpu.vector_load %arg19[%swap3A_178] {strides = array<i32>} : memref<16xi32, #tpu.memory_space<vmem>>, vector<16xi32>,
      tpu.vector_store %arg19[%swap3A_178], %select_n3A_175 {strides = array<i32>} : memref<16xi32, #tpu.memory_space<vmem>>, vector<16xi32>,
      %xor3A_180 = arith.constant 1 : i32
      %xor3A_181 = vector.broadcast %xor3A_180 : i32 to vector<16xi32>
      %xor3A_182 = arith.xori %iota3A, %xor3A_181 : vector<16xi32>
      %gather3A_183 = tpu.vector_load_idx %arg18[%xor3A_182] : memref<16xf32, #tpu.memory_space<vmem>>[vector<16xi32>], vector<16xf32>,
      %gather3A_184 = tpu.vector_load_idx %arg19[%xor3A_182] : memref<16xi32, #tpu.memory_space<vmem>>[vector<16xi32>], vector<16xi32>,
      %gt3A_185 = arith.cmpf ogt, %gather3A_183, %select_n3A_174 : vector<16xf32>
      %eq3A_186 = arith.cmpf oeq, %gather3A_183, %select_n3A_174 : vector<16xf32>
      %lt3A_187 = arith.cmpi slt, %gather3A_184, %select_n3A_175 : vector<16xi32>
      %and3A_188 = arith.andi %eq3A_186, %lt3A_187 : vector<16xi1>
      %or3A_189 = arith.ori %gt3A_185, %and3A_188 : vector<16xi1>
      %select_n3A_190 = arith.select %or3A_189, %gather3A_183, %select_n3A_174 : vector<16xi1>, vector<16xf32>
      %select_n3A_191 = arith.select %or3A_189, %gather3A_184, %select_n3A_175 : vector<16xi1>, vector<16xi32>
      %eq3A_192 = arith.constant 1 : i32
      %eq3A_193 = vector.broadcast %eq3A_192 : i32 to vector<16xi32>
      %eq3A_194 = arith.cmpi eq, %iota3A, %eq3A_193 : vector<16xi32>
      %select_n3A_195 = arith.select %eq3A_194, %select_n3A_190, %select_n3A_95 : vector<16xi1>, vector<16xf32>
      %eq3A_196 = arith.constant 1 : i32
      %eq3A_197 = vector.broadcast %eq3A_196 : i32 to vector<16xi32>
      %eq3A_198 = arith.cmpi eq, %iota3A, %eq3A_197 : vector<16xi32>
      %select_n3A_199 = arith.select %eq3A_198, %select_n3A_191, %select_n3A_101 : vector<16xi1>, vector<16xi32>
      %broadcast_in_dim3A_200 = arith.constant -1.000000e+00 : f32
      %broadcast_in_dim3A_201 = vector.broadcast %broadcast_in_dim3A_200 : f32 to vector<16xf32>
      %eq3A_202 = arith.constant 0 : i32
      %eq3A_203 = vector.broadcast %eq3A_202 : i32 to vector<16xi32>
      %eq3A_204 = arith.cmpi eq, %iota3A, %eq3A_203 : vector<16xi32>
      tpu.vector_store_idx %arg15[%select_n3A_191], %broadcast_in_dim3A_201 masked %eq3A_204 : memref<2048xf32, #tpu.memory_space<vmem>>[vector<16xi32>], vector<16xf32>, vector<16xi1>
      %broadcast_in_dim3A_205 = arith.constant -1.000000e+00 : f32
      %broadcast_in_dim3A_206 = vector.broadcast %broadcast_in_dim3A_205 : f32 to vector<16xf32>
      %broadcast_in_dim3A_207 = arith.constant 0 : i32
      %broadcast_in_dim3A_208 = vector.broadcast %broadcast_in_dim3A_207 : i32 to vector<16xi32>
      %scan3A_209 = arith.constant 0 : i32
      %scan3A_210 = arith.constant 0 : i32
      %scan3A_211 = arith.addi %scan3A_209, %scan3A_210 : i32
      %scan3A_212 = arith.constant 0 : i32
      %scan3A_213 = arith.addi %scan3A_209, %scan3A_212 : i32
      %mul3A_214 = arith.constant 16 : i32
      %mul3A_215 = arith.muli %scan3A_213, %mul3A_214 : i32
      %get3A_216 = arith.index_cast %mul3A_215 : i32 to index
      %get3A_217 = tpu.vector_load %arg15[%get3A_216] {strides = array<i32>} : memref<2048xf32, #tpu.memory_space<vmem>>, vector<16xf32>,
      %mul3A_218 = arith.constant 16 : i32
      %mul3A_219 = arith.muli %scan3A_213, %mul3A_218 : i32
      %add3A_220 = vector.broadcast %mul3A_219 : i32 to vector<16xi32>
      %add3A_221 = arith.addi %iota3A, %add3A_220 : vector<16xi32>
      %gt3A_222 = arith.cmpf ogt, %get3A_217, %broadcast_in_dim3A_206 : vector<16xf32>
      %select_n3A_223 = arith.select %gt3A_222, %get3A_217, %broadcast_in_dim3A_206 : vector<16xi1>, vector<16xf32>
      %select_n3A_224 = arith.select %gt3A_222, %add3A_221, %broadcast_in_dim3A_208 : vector<16xi1>, vector<16xi32>
      %scan3A_225 = arith.constant 1 : i32
      %swap3A_226 = arith.constant 0 : index
      %swap3A_227 = tpu.vector_load %arg18[%swap3A_226] {strides = array<i32>} : memref<16xf32, #tpu.memory_space<vmem>>, vector<16xf32>,
      tpu.vector_store %arg18[%swap3A_226], %select_n3A_223 {strides = array<i32>} : memref<16xf32, #tpu.memory_space<vmem>>, vector<16xf32>,
      %swap3A_228 = arith.constant 0 : index
      %swap3A_229 = tpu.vector_load %arg19[%swap3A_228] {strides = array<i32>} : memref<16xi32, #tpu.memory_space<vmem>>, vector<16xi32>,
      tpu.vector_store %arg19[%swap3A_228], %select_n3A_224 {strides = array<i32>} : memref<16xi32, #tpu.memory_space<vmem>>, vector<16xi32>,
      %xor3A_230 = arith.constant 8 : i32
      %xor3A_231 = vector.broadcast %xor3A_230 : i32 to vector<16xi32>
      %xor3A_232 = arith.xori %iota3A, %xor3A_231 : vector<16xi32>
      %gather3A_233 = tpu.vector_load_idx %arg18[%xor3A_232] : memref<16xf32, #tpu.memory_space<vmem>>[vector<16xi32>], vector<16xf32>,
      %gather3A_234 = tpu.vector_load_idx %arg19[%xor3A_232] : memref<16xi32, #tpu.memory_space<vmem>>[vector<16xi32>], vector<16xi32>,
      %gt3A_235 = arith.cmpf ogt, %gather3A_233, %select_n3A_223 : vector<16xf32>
      %eq3A_236 = arith.cmpf oeq, %gather3A_233, %select_n3A_223 : vector<16xf32>
      %lt3A_237 = arith.cmpi slt, %gather3A_234, %select_n3A_224 : vector<16xi32>
      %and3A_238 = arith.andi %eq3A_236, %lt3A_237 : vector<16xi1>
      %or3A_239 = arith.ori %gt3A_235, %and3A_238 : vector<16xi1>
      %select_n3A_240 = arith.select %or3A_239, %gather3A_233, %select_n3A_223 : vector<16xi1>, vector<16xf32>
      %select_n3A_241 = arith.select %or3A_239, %gather3A_234, %select_n3A_224 : vector<16xi1>, vector<16xi32>
      %swap3A_242 = arith.constant 0 : index
      %swap3A_243 = tpu.vector_load %arg18[%swap3A_242] {strides = array<i32>} : memref<16xf32, #tpu.memory_space<vmem>>, vector<16xf32>,
      tpu.vector_store %arg18[%swap3A_242], %select_n3A_240 {strides = array<i32>} : memref<16xf32, #tpu.memory_space<vmem>>, vector<16xf32>,
      %swap3A_244 = arith.constant 0 : index
      %swap3A_245 = tpu.vector_load %arg19[%swap3A_244] {strides = array<i32>} : memref<16xi32, #tpu.memory_space<vmem>>, vector<16xi32>,
      tpu.vector_store %arg19[%swap3A_244], %select_n3A_241 {strides = array<i32>} : memref<16xi32, #tpu.memory_space<vmem>>, vector<16xi32>,
      %xor3A_246 = arith.constant 4 : i32
      %xor3A_247 = vector.broadcast %xor3A_246 : i32 to vector<16xi32>
      %xor3A_248 = arith.xori %iota3A, %xor3A_247 : vector<16xi32>
      %gather3A_249 = tpu.vector_load_idx %arg18[%xor3A_248] : memref<16xf32, #tpu.memory_space<vmem>>[vector<16xi32>], vector<16xf32>,
      %gather3A_250 = tpu.vector_load_idx %arg19[%xor3A_248] : memref<16xi32, #tpu.memory_space<vmem>>[vector<16xi32>], vector<16xi32>,
      %gt3A_251 = arith.cmpf ogt, %gather3A_249, %select_n3A_240 : vector<16xf32>
      %eq3A_252 = arith.cmpf oeq, %gather3A_249, %select_n3A_240 : vector<16xf32>
      %lt3A_253 = arith.cmpi slt, %gather3A_250, %select_n3A_241 : vector<16xi32>
      %and3A_254 = arith.andi %eq3A_252, %lt3A_253 : vector<16xi1>
      %or3A_255 = arith.ori %gt3A_251, %and3A_254 : vector<16xi1>
      %select_n3A_256 = arith.select %or3A_255, %gather3A_249, %select_n3A_240 : vector<16xi1>, vector<16xf32>
      %select_n3A_257 = arith.select %or3A_255, %gather3A_250, %select_n3A_241 : vector<16xi1>, vector<16xi32>
      %swap3A_258 = arith.constant 0 : index
      %swap3A_259 = tpu.vector_load %arg18[%swap3A_258] {strides = array<i32>} : memref<16xf32, #tpu.memory_space<vmem>>, vector<16xf32>,
      tpu.vector_store %arg18[%swap3A_258], %select_n3A_256 {strides = array<i32>} : memref<16xf32, #tpu.memory_space<vmem>>, vector<16xf32>,
      %swap3A_260 = arith.constant 0 : index
      %swap3A_261 = tpu.vector_load %arg19[%swap3A_260] {strides = array<i32>} : memref<16xi32, #tpu.memory_space<vmem>>, vector<16xi32>,
      tpu.vector_store %arg19[%swap3A_260], %select_n3A_257 {strides = array<i32>} : memref<16xi32, #tpu.memory_space<vmem>>, vector<16xi32>,
      %xor3A_262 = arith.constant 2 : i32
      %xor3A_263 = vector.broadcast %xor3A_262 : i32 to vector<16xi32>
      %xor3A_264 = arith.xori %iota3A, %xor3A_263 : vector<16xi32>
      %gather3A_265 = tpu.vector_load_idx %arg18[%xor3A_264] : memref<16xf32, #tpu.memory_space<vmem>>[vector<16xi32>], vector<16xf32>,
      %gather3A_266 = tpu.vector_load_idx %arg19[%xor3A_264] : memref<16xi32, #tpu.memory_space<vmem>>[vector<16xi32>], vector<16xi32>,
      %gt3A_267 = arith.cmpf ogt, %gather3A_265, %select_n3A_256 : vector<16xf32>
      %eq3A_268 = arith.cmpf oeq, %gather3A_265, %select_n3A_256 : vector<16xf32>
      %lt3A_269 = arith.cmpi slt, %gather3A_266, %select_n3A_257 : vector<16xi32>
      %and3A_270 = arith.andi %eq3A_268, %lt3A_269 : vector<16xi1>
      %or3A_271 = arith.ori %gt3A_267, %and3A_270 : vector<16xi1>
      %select_n3A_272 = arith.select %or3A_271, %gather3A_265, %select_n3A_256 : vector<16xi1>, vector<16xf32>
      %select_n3A_273 = arith.select %or3A_271, %gather3A_266, %select_n3A_257 : vector<16xi1>, vector<16xi32>
      %swap3A_274 = arith.constant 0 : index
      %swap3A_275 = tpu.vector_load %arg18[%swap3A_274] {strides = array<i32>} : memref<16xf32, #tpu.memory_space<vmem>>, vector<16xf32>,
      tpu.vector_store %arg18[%swap3A_274], %select_n3A_272 {strides = array<i32>} : memref<16xf32, #tpu.memory_space<vmem>>, vector<16xf32>,
      %swap3A_276 = arith.constant 0 : index
      %swap3A_277 = tpu.vector_load %arg19[%swap3A_276] {strides = array<i32>} : memref<16xi32, #tpu.memory_space<vmem>>, vector<16xi32>,
      tpu.vector_store %arg19[%swap3A_276], %select_n3A_273 {strides = array<i32>} : memref<16xi32, #tpu.memory_space<vmem>>, vector<16xi32>,
      %xor3A_278 = arith.constant 1 : i32
      %xor3A_279 = vector.broadcast %xor3A_278 : i32 to vector<16xi32>
      %xor3A_280 = arith.xori %iota3A, %xor3A_279 : vector<16xi32>
      %gather3A_281 = tpu.vector_load_idx %arg18[%xor3A_280] : memref<16xf32, #tpu.memory_space<vmem>>[vector<16xi32>], vector<16xf32>,
      %gather3A_282 = tpu.vector_load_idx %arg19[%xor3A_280] : memref<16xi32, #tpu.memory_space<vmem>>[vector<16xi32>], vector<16xi32>,
      %gt3A_283 = arith.cmpf ogt, %gather3A_281, %select_n3A_272 : vector<16xf32>
      %eq3A_284 = arith.cmpf oeq, %gather3A_281, %select_n3A_272 : vector<16xf32>
      %lt3A_285 = arith.cmpi slt, %gather3A_282, %select_n3A_273 : vector<16xi32>
      %and3A_286 = arith.andi %eq3A_284, %lt3A_285 : vector<16xi1>
      %or3A_287 = arith.ori %gt3A_283, %and3A_286 : vector<16xi1>
      %select_n3A_288 = arith.select %or3A_287, %gather3A_281, %select_n3A_272 : vector<16xi1>, vector<16xf32>
      %select_n3A_289 = arith.select %or3A_287, %gather3A_282, %select_n3A_273 : vector<16xi1>, vector<16xi32>
      %eq3A_290 = arith.constant 2 : i32
      %eq3A_291 = vector.broadcast %eq3A_290 : i32 to vector<16xi32>
      %eq3A_292 = arith.cmpi eq, %iota3A, %eq3A_291 : vector<16xi32>
      %select_n3A_293 = arith.select %eq3A_292, %select_n3A_288, %select_n3A_195 : vector<16xi1>, vector<16xf32>
      %eq3A_294 = arith.constant 2 : i32
      %eq3A_295 = vector.broadcast %eq3A_294 : i32 to vector<16xi32>
      %eq3A_296 = arith.cmpi eq, %iota3A, %eq3A_295 : vector<16xi32>
      %select_n3A_297 = arith.select %eq3A_296, %select_n3A_289, %select_n3A_199 : vector<16xi1>, vector<16xi32>
      %broadcast_in_dim3A_298 = arith.constant -1.000000e+00 : f32
      %broadcast_in_dim3A_299 = vector.broadcast %broadcast_in_dim3A_298 : f32 to vector<16xf32>
      %eq3A_300 = arith.constant 0 : i32
      %eq3A_301 = vector.broadcast %eq3A_300 : i32 to vector<16xi32>
      %eq3A_302 = arith.cmpi eq, %iota3A, %eq3A_301 : vector<16xi32>
      tpu.vector_store_idx %arg15[%select_n3A_289], %broadcast_in_dim3A_299 masked %eq3A_302 : memref<2048xf32, #tpu.memory_space<vmem>>[vector<16xi32>], vector<16xf32>, vector<16xi1>
      %broadcast_in_dim3A_303 = arith.constant -1.000000e+00 : f32
      %broadcast_in_dim3A_304 = vector.broadcast %broadcast_in_dim3A_303 : f32 to vector<16xf32>
      %broadcast_in_dim3A_305 = arith.constant 0 : i32
      %broadcast_in_dim3A_306 = vector.broadcast %broadcast_in_dim3A_305 : i32 to vector<16xi32>
      %scan3A_307 = arith.constant 0 : i32
      %scan3A_308 = arith.constant 0 : i32
      %scan3A_309 = arith.addi %scan3A_307, %scan3A_308 : i32
      %scan3A_310 = arith.constant 0 : i32
      %scan3A_311 = arith.addi %scan3A_307, %scan3A_310 : i32
      %mul3A_312 = arith.constant 16 : i32
      %mul3A_313 = arith.muli %scan3A_311, %mul3A_312 : i32
      %get3A_314 = arith.index_cast %mul3A_313 : i32 to index
      %get3A_315 = tpu.vector_load %arg15[%get3A_314] {strides = array<i32>} : memref<2048xf32, #tpu.memory_space<vmem>>, vector<16xf32>,
      %mul3A_316 = arith.constant 16 : i32
      %mul3A_317 = arith.muli %scan3A_311, %mul3A_316 : i32
      %add3A_318 = vector.broadcast %mul3A_317 : i32 to vector<16xi32>
      %add3A_319 = arith.addi %iota3A, %add3A_318 : vector<16xi32>
      %gt3A_320 = arith.cmpf ogt, %get3A_315, %broadcast_in_dim3A_304 : vector<16xf32>
      %select_n3A_321 = arith.select %gt3A_320, %get3A_315, %broadcast_in_dim3A_304 : vector<16xi1>, vector<16xf32>
      %select_n3A_322 = arith.select %gt3A_320, %add3A_319, %broadcast_in_dim3A_306 : vector<16xi1>, vector<16xi32>
      %scan3A_323 = arith.constant 1 : i32
      %swap3A_324 = arith.constant 0 : index
      %swap3A_325 = tpu.vector_load %arg18[%swap3A_324] {strides = array<i32>} : memref<16xf32, #tpu.memory_space<vmem>>, vector<16xf32>,
      tpu.vector_store %arg18[%swap3A_324], %select_n3A_321 {strides = array<i32>} : memref<16xf32, #tpu.memory_space<vmem>>, vector<16xf32>,
      %swap3A_326 = arith.constant 0 : index
      %swap3A_327 = tpu.vector_load %arg19[%swap3A_326] {strides = array<i32>} : memref<16xi32, #tpu.memory_space<vmem>>, vector<16xi32>,
      tpu.vector_store %arg19[%swap3A_326], %select_n3A_322 {strides = array<i32>} : memref<16xi32, #tpu.memory_space<vmem>>, vector<16xi32>,
      %xor3A_328 = arith.constant 8 : i32
      %xor3A_329 = vector.broadcast %xor3A_328 : i32 to vector<16xi32>
      %xor3A_330 = arith.xori %iota3A, %xor3A_329 : vector<16xi32>
      %gather3A_331 = tpu.vector_load_idx %arg18[%xor3A_330] : memref<16xf32, #tpu.memory_space<vmem>>[vector<16xi32>], vector<16xf32>,
      %gather3A_332 = tpu.vector_load_idx %arg19[%xor3A_330] : memref<16xi32, #tpu.memory_space<vmem>>[vector<16xi32>], vector<16xi32>,
      %gt3A_333 = arith.cmpf ogt, %gather3A_331, %select_n3A_321 : vector<16xf32>
      %eq3A_334 = arith.cmpf oeq, %gather3A_331, %select_n3A_321 : vector<16xf32>
      %lt3A_335 = arith.cmpi slt, %gather3A_332, %select_n3A_322 : vector<16xi32>
      %and3A_336 = arith.andi %eq3A_334, %lt3A_335 : vector<16xi1>
      %or3A_337 = arith.ori %gt3A_333, %and3A_336 : vector<16xi1>
      %select_n3A_338 = arith.select %or3A_337, %gather3A_331, %select_n3A_321 : vector<16xi1>, vector<16xf32>
      %select_n3A_339 = arith.select %or3A_337, %gather3A_332, %select_n3A_322 : vector<16xi1>, vector<16xi32>
      %swap3A_340 = arith.constant 0 : index
      %swap3A_341 = tpu.vector_load %arg18[%swap3A_340] {strides = array<i32>} : memref<16xf32, #tpu.memory_space<vmem>>, vector<16xf32>,
      tpu.vector_store %arg18[%swap3A_340], %select_n3A_338 {strides = array<i32>} : memref<16xf32, #tpu.memory_space<vmem>>, vector<16xf32>,
      %swap3A_342 = arith.constant 0 : index
      %swap3A_343 = tpu.vector_load %arg19[%swap3A_342] {strides = array<i32>} : memref<16xi32, #tpu.memory_space<vmem>>, vector<16xi32>,
      tpu.vector_store %arg19[%swap3A_342], %select_n3A_339 {strides = array<i32>} : memref<16xi32, #tpu.memory_space<vmem>>, vector<16xi32>,
      %xor3A_344 = arith.constant 4 : i32
      %xor3A_345 = vector.broadcast %xor3A_344 : i32 to vector<16xi32>
      %xor3A_346 = arith.xori %iota3A, %xor3A_345 : vector<16xi32>
      %gather3A_347 = tpu.vector_load_idx %arg18[%xor3A_346] : memref<16xf32, #tpu.memory_space<vmem>>[vector<16xi32>], vector<16xf32>,
      %gather3A_348 = tpu.vector_load_idx %arg19[%xor3A_346] : memref<16xi32, #tpu.memory_space<vmem>>[vector<16xi32>], vector<16xi32>,
      %gt3A_349 = arith.cmpf ogt, %gather3A_347, %select_n3A_338 : vector<16xf32>
      %eq3A_350 = arith.cmpf oeq, %gather3A_347, %select_n3A_338 : vector<16xf32>
      %lt3A_351 = arith.cmpi slt, %gather3A_348, %select_n3A_339 : vector<16xi32>
      %and3A_352 = arith.andi %eq3A_350, %lt3A_351 : vector<16xi1>
      %or3A_353 = arith.ori %gt3A_349, %and3A_352 : vector<16xi1>
      %select_n3A_354 = arith.select %or3A_353, %gather3A_347, %select_n3A_338 : vector<16xi1>, vector<16xf32>
      %select_n3A_355 = arith.select %or3A_353, %gather3A_348, %select_n3A_339 : vector<16xi1>, vector<16xi32>
      %swap3A_356 = arith.constant 0 : index
      %swap3A_357 = tpu.vector_load %arg18[%swap3A_356] {strides = array<i32>} : memref<16xf32, #tpu.memory_space<vmem>>, vector<16xf32>,
      tpu.vector_store %arg18[%swap3A_356], %select_n3A_354 {strides = array<i32>} : memref<16xf32, #tpu.memory_space<vmem>>, vector<16xf32>,
      %swap3A_358 = arith.constant 0 : index
      %swap3A_359 = tpu.vector_load %arg19[%swap3A_358] {strides = array<i32>} : memref<16xi32, #tpu.memory_space<vmem>>, vector<16xi32>,
      tpu.vector_store %arg19[%swap3A_358], %select_n3A_355 {strides = array<i32>} : memref<16xi32, #tpu.memory_space<vmem>>, vector<16xi32>,
      %xor3A_360 = arith.constant 2 : i32
      %xor3A_361 = vector.broadcast %xor3A_360 : i32 to vector<16xi32>
      %xor3A_362 = arith.xori %iota3A, %xor3A_361 : vector<16xi32>
      %gather3A_363 = tpu.vector_load_idx %arg18[%xor3A_362] : memref<16xf32, #tpu.memory_space<vmem>>[vector<16xi32>], vector<16xf32>,
      %gather3A_364 = tpu.vector_load_idx %arg19[%xor3A_362] : memref<16xi32, #tpu.memory_space<vmem>>[vector<16xi32>], vector<16xi32>,
      %gt3A_365 = arith.cmpf ogt, %gather3A_363, %select_n3A_354 : vector<16xf32>
      %eq3A_366 = arith.cmpf oeq, %gather3A_363, %select_n3A_354 : vector<16xf32>
      %lt3A_367 = arith.cmpi slt, %gather3A_364, %select_n3A_355 : vector<16xi32>
      %and3A_368 = arith.andi %eq3A_366, %lt3A_367 : vector<16xi1>
      %or3A_369 = arith.ori %gt3A_365, %and3A_368 : vector<16xi1>
      %select_n3A_370 = arith.select %or3A_369, %gather3A_363, %select_n3A_354 : vector<16xi1>, vector<16xf32>
      %select_n3A_371 = arith.select %or3A_369, %gather3A_364, %select_n3A_355 : vector<16xi1>, vector<16xi32>
      %swap3A_372 = arith.constant 0 : index
      %swap3A_373 = tpu.vector_load %arg18[%swap3A_372] {strides = array<i32>} : memref<16xf32, #tpu.memory_space<vmem>>, vector<16xf32>,
      tpu.vector_store %arg18[%swap3A_372], %select_n3A_370 {strides = array<i32>} : memref<16xf32, #tpu.memory_space<vmem>>, vector<16xf32>,
      %swap3A_374 = arith.constant 0 : index
      %swap3A_375 = tpu.vector_load %arg19[%swap3A_374] {strides = array<i32>} : memref<16xi32, #tpu.memory_space<vmem>>, vector<16xi32>,
      tpu.vector_store %arg19[%swap3A_374], %select_n3A_371 {strides = array<i32>} : memref<16xi32, #tpu.memory_space<vmem>>, vector<16xi32>,
      %xor3A_376 = arith.constant 1 : i32
      %xor3A_377 = vector.broadcast %xor3A_376 : i32 to vector<16xi32>
      %xor3A_378 = arith.xori %iota3A, %xor3A_377 : vector<16xi32>
      %gather3A_379 = tpu.vector_load_idx %arg18[%xor3A_378] : memref<16xf32, #tpu.memory_space<vmem>>[vector<16xi32>], vector<16xf32>,
      %gather3A_380 = tpu.vector_load_idx %arg19[%xor3A_378] : memref<16xi32, #tpu.memory_space<vmem>>[vector<16xi32>], vector<16xi32>,
      %gt3A_381 = arith.cmpf ogt, %gather3A_379, %select_n3A_370 : vector<16xf32>
      %eq3A_382 = arith.cmpf oeq, %gather3A_379, %select_n3A_370 : vector<16xf32>
      %lt3A_383 = arith.cmpi slt, %gather3A_380, %select_n3A_371 : vector<16xi32>
      %and3A_384 = arith.andi %eq3A_382, %lt3A_383 : vector<16xi1>
      %or3A_385 = arith.ori %gt3A_381, %and3A_384 : vector<16xi1>
      %select_n3A_386 = arith.select %or3A_385, %gather3A_379, %select_n3A_370 : vector<16xi1>, vector<16xf32>
      %select_n3A_387 = arith.select %or3A_385, %gather3A_380, %select_n3A_371 : vector<16xi1>, vector<16xi32>
      %eq3A_388 = arith.constant 3 : i32
      %eq3A_389 = vector.broadcast %eq3A_388 : i32 to vector<16xi32>
      %eq3A_390 = arith.cmpi eq, %iota3A, %eq3A_389 : vector<16xi32>
      %select_n3A_391 = arith.select %eq3A_390, %select_n3A_386, %select_n3A_293 : vector<16xi1>, vector<16xf32>
      %eq3A_392 = arith.constant 3 : i32
      %eq3A_393 = vector.broadcast %eq3A_392 : i32 to vector<16xi32>
      %eq3A_394 = arith.cmpi eq, %iota3A, %eq3A_393 : vector<16xi32>
      %select_n3A_395 = arith.select %eq3A_394, %select_n3A_387, %select_n3A_297 : vector<16xi1>, vector<16xi32>
      %broadcast_in_dim3A_396 = arith.constant -1.000000e+00 : f32
      %broadcast_in_dim3A_397 = vector.broadcast %broadcast_in_dim3A_396 : f32 to vector<16xf32>
      %eq3A_398 = arith.constant 0 : i32
      %eq3A_399 = vector.broadcast %eq3A_398 : i32 to vector<16xi32>
      %eq3A_400 = arith.cmpi eq, %iota3A, %eq3A_399 : vector<16xi32>
      tpu.vector_store_idx %arg15[%select_n3A_387], %broadcast_in_dim3A_397 masked %eq3A_400 : memref<2048xf32, #tpu.memory_space<vmem>>[vector<16xi32>], vector<16xf32>, vector<16xi1>
      %broadcast_in_dim3A_401 = arith.constant -1.000000e+00 : f32
      %broadcast_in_dim3A_402 = vector.broadcast %broadcast_in_dim3A_401 : f32 to vector<16xf32>
      %broadcast_in_dim3A_403 = arith.constant 0 : i32
      %broadcast_in_dim3A_404 = vector.broadcast %broadcast_in_dim3A_403 : i32 to vector<16xi32>
      %scan3A_405 = arith.constant 0 : i32
      %scan3A_406 = arith.constant 0 : i32
      %scan3A_407 = arith.addi %scan3A_405, %scan3A_406 : i32
      %scan3A_408 = arith.constant 0 : i32
      %scan3A_409 = arith.addi %scan3A_405, %scan3A_408 : i32
      %mul3A_410 = arith.constant 16 : i32
      %mul3A_411 = arith.muli %scan3A_409, %mul3A_410 : i32
      %get3A_412 = arith.index_cast %mul3A_411 : i32 to index
      %get3A_413 = tpu.vector_load %arg15[%get3A_412] {strides = array<i32>} : memref<2048xf32, #tpu.memory_space<vmem>>, vector<16xf32>,
      %mul3A_414 = arith.constant 16 : i32
      %mul3A_415 = arith.muli %scan3A_409, %mul3A_414 : i32
      %add3A_416 = vector.broadcast %mul3A_415 : i32 to vector<16xi32>
      %add3A_417 = arith.addi %iota3A, %add3A_416 : vector<16xi32>
      %gt3A_418 = arith.cmpf ogt, %get3A_413, %broadcast_in_dim3A_402 : vector<16xf32>
      %select_n3A_419 = arith.select %gt3A_418, %get3A_413, %broadcast_in_dim3A_402 : vector<16xi1>, vector<16xf32>
      %select_n3A_420 = arith.select %gt3A_418, %add3A_417, %broadcast_in_dim3A_404 : vector<16xi1>, vector<16xi32>
      %scan3A_421 = arith.constant 1 : i32
      %swap3A_422 = arith.constant 0 : index
      %swap3A_423 = tpu.vector_load %arg18[%swap3A_422] {strides = array<i32>} : memref<16xf32, #tpu.memory_space<vmem>>, vector<16xf32>,
      tpu.vector_store %arg18[%swap3A_422], %select_n3A_419 {strides = array<i32>} : memref<16xf32, #tpu.memory_space<vmem>>, vector<16xf32>,
      %swap3A_424 = arith.constant 0 : index
      %swap3A_425 = tpu.vector_load %arg19[%swap3A_424] {strides = array<i32>} : memref<16xi32, #tpu.memory_space<vmem>>, vector<16xi32>,
      tpu.vector_store %arg19[%swap3A_424], %select_n3A_420 {strides = array<i32>} : memref<16xi32, #tpu.memory_space<vmem>>, vector<16xi32>,
      %xor3A_426 = arith.constant 8 : i32
      %xor3A_427 = vector.broadcast %xor3A_426 : i32 to vector<16xi32>
      %xor3A_428 = arith.xori %iota3A, %xor3A_427 : vector<16xi32>
      %gather3A_429 = tpu.vector_load_idx %arg18[%xor3A_428] : memref<16xf32, #tpu.memory_space<vmem>>[vector<16xi32>], vector<16xf32>,
      %gather3A_430 = tpu.vector_load_idx %arg19[%xor3A_428] : memref<16xi32, #tpu.memory_space<vmem>>[vector<16xi32>], vector<16xi32>,
      %gt3A_431 = arith.cmpf ogt, %gather3A_429, %select_n3A_419 : vector<16xf32>
      %eq3A_432 = arith.cmpf oeq, %gather3A_429, %select_n3A_419 : vector<16xf32>
      %lt3A_433 = arith.cmpi slt, %gather3A_430, %select_n3A_420 : vector<16xi32>
      %and3A_434 = arith.andi %eq3A_432, %lt3A_433 : vector<16xi1>
      %or3A_435 = arith.ori %gt3A_431, %and3A_434 : vector<16xi1>
      %select_n3A_436 = arith.select %or3A_435, %gather3A_429, %select_n3A_419 : vector<16xi1>, vector<16xf32>
      %select_n3A_437 = arith.select %or3A_435, %gather3A_430, %select_n3A_420 : vector<16xi1>, vector<16xi32>
      %swap3A_438 = arith.constant 0 : index
      %swap3A_439 = tpu.vector_load %arg18[%swap3A_438] {strides = array<i32>} : memref<16xf32, #tpu.memory_space<vmem>>, vector<16xf32>,
      tpu.vector_store %arg18[%swap3A_438], %select_n3A_436 {strides = array<i32>} : memref<16xf32, #tpu.memory_space<vmem>>, vector<16xf32>,
      %swap3A_440 = arith.constant 0 : index
      %swap3A_441 = tpu.vector_load %arg19[%swap3A_440] {strides = array<i32>} : memref<16xi32, #tpu.memory_space<vmem>>, vector<16xi32>,
      tpu.vector_store %arg19[%swap3A_440], %select_n3A_437 {strides = array<i32>} : memref<16xi32, #tpu.memory_space<vmem>>, vector<16xi32>,
      %xor3A_442 = arith.constant 4 : i32
      %xor3A_443 = vector.broadcast %xor3A_442 : i32 to vector<16xi32>
      %xor3A_444 = arith.xori %iota3A, %xor3A_443 : vector<16xi32>
      %gather3A_445 = tpu.vector_load_idx %arg18[%xor3A_444] : memref<16xf32, #tpu.memory_space<vmem>>[vector<16xi32>], vector<16xf32>,
      %gather3A_446 = tpu.vector_load_idx %arg19[%xor3A_444] : memref<16xi32, #tpu.memory_space<vmem>>[vector<16xi32>], vector<16xi32>,
      %gt3A_447 = arith.cmpf ogt, %gather3A_445, %select_n3A_436 : vector<16xf32>
      %eq3A_448 = arith.cmpf oeq, %gather3A_445, %select_n3A_436 : vector<16xf32>
      %lt3A_449 = arith.cmpi slt, %gather3A_446, %select_n3A_437 : vector<16xi32>
      %and3A_450 = arith.andi %eq3A_448, %lt3A_449 : vector<16xi1>
      %or3A_451 = arith.ori %gt3A_447, %and3A_450 : vector<16xi1>
      %select_n3A_452 = arith.select %or3A_451, %gather3A_445, %select_n3A_436 : vector<16xi1>, vector<16xf32>
      %select_n3A_453 = arith.select %or3A_451, %gather3A_446, %select_n3A_437 : vector<16xi1>, vector<16xi32>
      %swap3A_454 = arith.constant 0 : index
      %swap3A_455 = tpu.vector_load %arg18[%swap3A_454] {strides = array<i32>} : memref<16xf32, #tpu.memory_space<vmem>>, vector<16xf32>,
      tpu.vector_store %arg18[%swap3A_454], %select_n3A_452 {strides = array<i32>} : memref<16xf32, #tpu.memory_space<vmem>>, vector<16xf32>,
      %swap3A_456 = arith.constant 0 : index
      %swap3A_457 = tpu.vector_load %arg19[%swap3A_456] {strides = array<i32>} : memref<16xi32, #tpu.memory_space<vmem>>, vector<16xi32>,
      tpu.vector_store %arg19[%swap3A_456], %select_n3A_453 {strides = array<i32>} : memref<16xi32, #tpu.memory_space<vmem>>, vector<16xi32>,
      %xor3A_458 = arith.constant 2 : i32
      %xor3A_459 = vector.broadcast %xor3A_458 : i32 to vector<16xi32>
      %xor3A_460 = arith.xori %iota3A, %xor3A_459 : vector<16xi32>
      %gather3A_461 = tpu.vector_load_idx %arg18[%xor3A_460] : memref<16xf32, #tpu.memory_space<vmem>>[vector<16xi32>], vector<16xf32>,
      %gather3A_462 = tpu.vector_load_idx %arg19[%xor3A_460] : memref<16xi32, #tpu.memory_space<vmem>>[vector<16xi32>], vector<16xi32>,
      %gt3A_463 = arith.cmpf ogt, %gather3A_461, %select_n3A_452 : vector<16xf32>
      %eq3A_464 = arith.cmpf oeq, %gather3A_461, %select_n3A_452 : vector<16xf32>
      %lt3A_465 = arith.cmpi slt, %gather3A_462, %select_n3A_453 : vector<16xi32>
      %and3A_466 = arith.andi %eq3A_464, %lt3A_465 : vector<16xi1>
      %or3A_467 = arith.ori %gt3A_463, %and3A_466 : vector<16xi1>
      %select_n3A_468 = arith.select %or3A_467, %gather3A_461, %select_n3A_452 : vector<16xi1>, vector<16xf32>
      %select_n3A_469 = arith.select %or3A_467, %gather3A_462, %select_n3A_453 : vector<16xi1>, vector<16xi32>
      %swap3A_470 = arith.constant 0 : index
      %swap3A_471 = tpu.vector_load %arg18[%swap3A_470] {strides = array<i32>} : memref<16xf32, #tpu.memory_space<vmem>>, vector<16xf32>,
      tpu.vector_store %arg18[%swap3A_470], %select_n3A_468 {strides = array<i32>} : memref<16xf32, #tpu.memory_space<vmem>>, vector<16xf32>,
      %swap3A_472 = arith.constant 0 : index
      %swap3A_473 = tpu.vector_load %arg19[%swap3A_472] {strides = array<i32>} : memref<16xi32, #tpu.memory_space<vmem>>, vector<16xi32>,
      tpu.vector_store %arg19[%swap3A_472], %select_n3A_469 {strides = array<i32>} : memref<16xi32, #tpu.memory_space<vmem>>, vector<16xi32>,
      %xor3A_474 = arith.constant 1 : i32
      %xor3A_475 = vector.broadcast %xor3A_474 : i32 to vector<16xi32>
      %xor3A_476 = arith.xori %iota3A, %xor3A_475 : vector<16xi32>
      %gather3A_477 = tpu.vector_load_idx %arg18[%xor3A_476] : memref<16xf32, #tpu.memory_space<vmem>>[vector<16xi32>], vector<16xf32>,
      %gather3A_478 = tpu.vector_load_idx %arg19[%xor3A_476] : memref<16xi32, #tpu.memory_space<vmem>>[vector<16xi32>], vector<16xi32>,
      %gt3A_479 = arith.cmpf ogt, %gather3A_477, %select_n3A_468 : vector<16xf32>
      %eq3A_480 = arith.cmpf oeq, %gather3A_477, %select_n3A_468 : vector<16xf32>
      %lt3A_481 = arith.cmpi slt, %gather3A_478, %select_n3A_469 : vector<16xi32>
      %and3A_482 = arith.andi %eq3A_480, %lt3A_481 : vector<16xi1>
      %or3A_483 = arith.ori %gt3A_479, %and3A_482 : vector<16xi1>
      %select_n3A_484 = arith.select %or3A_483, %gather3A_477, %select_n3A_468 : vector<16xi1>, vector<16xf32>
      %select_n3A_485 = arith.select %or3A_483, %gather3A_478, %select_n3A_469 : vector<16xi1>, vector<16xi32>
      %eq3A_486 = arith.constant 4 : i32
      %eq3A_487 = vector.broadcast %eq3A_486 : i32 to vector<16xi32>
      %eq3A_488 = arith.cmpi eq, %iota3A, %eq3A_487 : vector<16xi32>
      %select_n3A_489 = arith.select %eq3A_488, %select_n3A_484, %select_n3A_391 : vector<16xi1>, vector<16xf32>
      %eq3A_490 = arith.constant 4 : i32
      %eq3A_491 = vector.broadcast %eq3A_490 : i32 to vector<16xi32>
      %eq3A_492 = arith.cmpi eq, %iota3A, %eq3A_491 : vector<16xi32>
      %select_n3A_493 = arith.select %eq3A_492, %select_n3A_485, %select_n3A_395 : vector<16xi1>, vector<16xi32>
      %broadcast_in_dim3A_494 = arith.constant -1.000000e+00 : f32
      %broadcast_in_dim3A_495 = vector.broadcast %broadcast_in_dim3A_494 : f32 to vector<16xf32>
      %eq3A_496 = arith.constant 0 : i32
      %eq3A_497 = vector.broadcast %eq3A_496 : i32 to vector<16xi32>
      %eq3A_498 = arith.cmpi eq, %iota3A, %eq3A_497 : vector<16xi32>
      tpu.vector_store_idx %arg15[%select_n3A_485], %broadcast_in_dim3A_495 masked %eq3A_498 : memref<2048xf32, #tpu.memory_space<vmem>>[vector<16xi32>], vector<16xf32>, vector<16xi1>
      %lt3A_499 = arith.constant 5 : i32
      %lt3A_500 = vector.broadcast %lt3A_499 : i32 to vector<16xi32>
      %lt3A_501 = arith.cmpi slt, %iota3A, %lt3A_500 : vector<16xi32>
      %jit3A_502 = arith.constant 0 : i32
      %broadcast_in_dim3A_503 = vector.broadcast %jit3A_502 : i32 to vector<16xi32>
      %select_n3A_504 = arith.select %lt3A_501, %select_n3A_493, %broadcast_in_dim3A_503 : vector<16xi1>, vector<16xi32>
      %swap3A_505 = arith.constant 0 : index
      %swap3A_506 = tpu.vector_load %arg18[%swap3A_505] {strides = array<i32>} : memref<16xf32, #tpu.memory_space<vmem>>, vector<16xf32>,
      tpu.vector_store %arg18[%swap3A_505], %select_n3A_489 {strides = array<i32>} : memref<16xf32, #tpu.memory_space<vmem>>, vector<16xf32>,
      %swap3A_507 = arith.constant 0 : index
      %swap3A_508 = tpu.vector_load %arg19[%swap3A_507] {strides = array<i32>} : memref<16xi32, #tpu.memory_space<vmem>>, vector<16xi32>,
      tpu.vector_store %arg19[%swap3A_507], %select_n3A_493 {strides = array<i32>} : memref<16xi32, #tpu.memory_space<vmem>>, vector<16xi32>,
      %gather3A_509 = tpu.vector_load_idx %arg12[%select_n3A_504] : memref<2048xf32, #tpu.memory_space<vmem>>[vector<16xi32>], vector<16xf32>,
      %swap3A_510 = arith.constant 0 : index
      %swap3A_511 = tpu.vector_load %arg20[%swap3A_510] {strides = array<i32>} : memref<16xf32, #tpu.memory_space<vmem>>, vector<16xf32>,
      tpu.vector_store %arg20[%swap3A_510], %gather3A_509 {strides = array<i32>} : memref<16xf32, #tpu.memory_space<vmem>>, vector<16xf32>,
      %gather3A_512 = tpu.vector_load_idx %arg14[%select_n3A_504] : memref<2048xf32, #tpu.memory_space<vmem>>[vector<16xi32>], vector<16xf32>,
      %swap3A_513 = arith.constant 0 : index
      %swap3A_514 = tpu.vector_load %arg21[%swap3A_513] {strides = array<i32>} : memref<16xf32, #tpu.memory_space<vmem>>, vector<16xf32>,
      tpu.vector_store %arg21[%swap3A_513], %gather3A_512 {strides = array<i32>} : memref<16xf32, #tpu.memory_space<vmem>>, vector<16xf32>,
      %gather3A_515 = tpu.vector_load_idx %arg13[%select_n3A_504] : memref<2048xf32, #tpu.memory_space<vmem>>[vector<16xi32>], vector<16xf32>,
      %swap3A_516 = arith.constant 0 : index
      %swap3A_517 = tpu.vector_load %arg22[%swap3A_516] {strides = array<i32>} : memref<16xf32, #tpu.memory_space<vmem>>, vector<16xf32>,
      tpu.vector_store %arg22[%swap3A_516], %gather3A_515 {strides = array<i32>} : memref<16xf32, #tpu.memory_space<vmem>>, vector<16xf32>,
      %mul3A_518 = arith.constant 2048 : i32
      %mul3A_519 = arith.muli %add3A, %mul3A_518 : i32
      %add3A_520 = vector.broadcast %mul3A_519 : i32 to vector<16xi32>
      %add3A_521 = arith.addi %select_n3A_504, %add3A_520 : vector<16xi32>
      %swap3A_522 = arith.constant 0 : index
      %swap3A_523 = tpu.vector_load %arg16[%swap3A_522] {strides = array<i32>} : memref<16xi32, #tpu.memory_space<vmem>>, vector<16xi32>,
      tpu.vector_store %arg16[%swap3A_522], %add3A_521 {strides = array<i32>} : memref<16xi32, #tpu.memory_space<vmem>>, vector<16xi32>,
      %dma_start3A = arith.constant 0 : i32
      %dma_start3A_524 = tpu.memref_slice %arg16[%dma_start3A] : memref<16xi32, #tpu.memory_space<vmem>> -> memref<8xi32, #tpu.memory_space<vmem>>
      %dma_start3A_525 = arith.constant 0 : i32
      %dma_start3A_526 = arith.constant 0 : i32
      %dma_start3A_527 = tpu.memref_slice %arg5[%dma_start3A_525, %dma_start3A_526] : memref<32768x768xf32, #tpu.memory_space<hbm>> -> memref<32768x768xf32, #tpu.memory_space<hbm>>
      tpu.enqueue_indirect_dma source(%dma_start3A_527 : memref<32768x768xf32, #tpu.memory_space<hbm>>) target(%arg17 : memref<8x768xf32, #tpu.memory_space<vmem>>) offsets(%dma_start3A_524 : memref<8xi32, #tpu.memory_space<vmem>>) semaphore(%arg23 : memref<!tpu.dma_semaphore, #tpu.memory_space<semaphore_mem>>)
      %dma_wait3A = arith.constant 0 : i32
      %dma_wait3A_528 = tpu.memref_slice %arg16[%dma_wait3A] : memref<16xi32, #tpu.memory_space<vmem>> -> memref<8xi32, #tpu.memory_space<vmem>>
      %dma_wait3A_529 = arith.constant 0 : i32
      %dma_wait3A_530 = arith.constant 0 : i32
      %dma_wait3A_531 = tpu.memref_slice %arg5[%dma_wait3A_529, %dma_wait3A_530] : memref<32768x768xf32, #tpu.memory_space<hbm>> -> memref<32768x768xf32, #tpu.memory_space<hbm>>
      tpu.wait_indirect_dma semaphore(%arg23 : memref<!tpu.dma_semaphore, #tpu.memory_space<semaphore_mem>>) src(%dma_wait3A_531 : memref<32768x768xf32, #tpu.memory_space<hbm>>) dst(%arg17 : memref<8x768xf32, #tpu.memory_space<vmem>>)
      "tpu.region"() ({
        %run_scoped3A = tpu.sem_alloc : memref<!tpu.dma_semaphore, #tpu.memory_space<semaphore_mem>>
        %dma_start3A_532 = arith.constant 0 : i32
        %dma_start3A_533 = tpu.memref_slice %arg6[%add3A, %dma_start3A_532] : memref<16x16xf32, #tpu.memory_space<hbm>> -> memref<1x16xf32, #tpu.memory_space<hbm>>
        %dma_start3A_534 = tpu.memref_squeeze %dma_start3A_533 : memref<1x16xf32, #tpu.memory_space<hbm>> -> memref<16xf32, #tpu.memory_space<hbm>>
        %dma_start3A_535 = arith.constant 0 : i32
        %dma_start3A_536 = tpu.memref_slice %arg6[%add3A, %dma_start3A_535] : memref<16x16xf32, #tpu.memory_space<hbm>> -> memref<1x16xf32, #tpu.memory_space<hbm>>
        %dma_start3A_537 = tpu.memref_squeeze %dma_start3A_536 : memref<1x16xf32, #tpu.memory_space<hbm>> -> memref<16xf32, #tpu.memory_space<hbm>>
        tpu.enqueue_dma source(%arg18 : memref<16xf32, #tpu.memory_space<vmem>>) target(%dma_start3A_537 : memref<16xf32, #tpu.memory_space<hbm>>) target_semaphore(%run_scoped3A : memref<!tpu.dma_semaphore, #tpu.memory_space<semaphore_mem>>)
        %dma_wait3A_538 = arith.constant 0 : i32
        %dma_wait3A_539 = tpu.memref_slice %arg6[%add3A, %dma_wait3A_538] : memref<16x16xf32, #tpu.memory_space<hbm>> -> memref<1x16xf32, #tpu.memory_space<hbm>>
        %dma_wait3A_540 = tpu.memref_squeeze %dma_wait3A_539 : memref<1x16xf32, #tpu.memory_space<hbm>> -> memref<16xf32, #tpu.memory_space<hbm>>
        %dma_wait3A_541 = arith.constant 0 : i32
        %dma_wait3A_542 = tpu.memref_slice %arg6[%add3A, %dma_wait3A_541] : memref<16x16xf32, #tpu.memory_space<hbm>> -> memref<1x16xf32, #tpu.memory_space<hbm>>
        %dma_wait3A_543 = tpu.memref_squeeze %dma_wait3A_542 : memref<1x16xf32, #tpu.memory_space<hbm>> -> memref<16xf32, #tpu.memory_space<hbm>>
        tpu.wait_dma2 semaphore(%run_scoped3A : memref<!tpu.dma_semaphore, #tpu.memory_space<semaphore_mem>>) src(%arg18 : memref<16xf32, #tpu.memory_space<vmem>>) dst(%dma_wait3A_543 : memref<16xf32, #tpu.memory_space<hbm>>)
        tpu.yield
      }) : () -> ()
      "tpu.region"() ({
        %run_scoped3A = tpu.sem_alloc : memref<!tpu.dma_semaphore, #tpu.memory_space<semaphore_mem>>
        %dma_start3A_532 = arith.constant 0 : i32
        %dma_start3A_533 = tpu.memref_slice %arg7[%add3A, %dma_start3A_532] : memref<16x16xi32, #tpu.memory_space<hbm>> -> memref<1x16xi32, #tpu.memory_space<hbm>>
        %dma_start3A_534 = tpu.memref_squeeze %dma_start3A_533 : memref<1x16xi32, #tpu.memory_space<hbm>> -> memref<16xi32, #tpu.memory_space<hbm>>
        %dma_start3A_535 = arith.constant 0 : i32
        %dma_start3A_536 = tpu.memref_slice %arg7[%add3A, %dma_start3A_535] : memref<16x16xi32, #tpu.memory_space<hbm>> -> memref<1x16xi32, #tpu.memory_space<hbm>>
        %dma_start3A_537 = tpu.memref_squeeze %dma_start3A_536 : memref<1x16xi32, #tpu.memory_space<hbm>> -> memref<16xi32, #tpu.memory_space<hbm>>
        tpu.enqueue_dma source(%arg19 : memref<16xi32, #tpu.memory_space<vmem>>) target(%dma_start3A_537 : memref<16xi32, #tpu.memory_space<hbm>>) target_semaphore(%run_scoped3A : memref<!tpu.dma_semaphore, #tpu.memory_space<semaphore_mem>>)
        %dma_wait3A_538 = arith.constant 0 : i32
        %dma_wait3A_539 = tpu.memref_slice %arg7[%add3A, %dma_wait3A_538] : memref<16x16xi32, #tpu.memory_space<hbm>> -> memref<1x16xi32, #tpu.memory_space<hbm>>
        %dma_wait3A_540 = tpu.memref_squeeze %dma_wait3A_539 : memref<1x16xi32, #tpu.memory_space<hbm>> -> memref<16xi32, #tpu.memory_space<hbm>>
        %dma_wait3A_541 = arith.constant 0 : i32
        %dma_wait3A_542 = tpu.memref_slice %arg7[%add3A, %dma_wait3A_541] : memref<16x16xi32, #tpu.memory_space<hbm>> -> memref<1x16xi32, #tpu.memory_space<hbm>>
        %dma_wait3A_543 = tpu.memref_squeeze %dma_wait3A_542 : memref<1x16xi32, #tpu.memory_space<hbm>> -> memref<16xi32, #tpu.memory_space<hbm>>
        tpu.wait_dma2 semaphore(%run_scoped3A : memref<!tpu.dma_semaphore, #tpu.memory_space<semaphore_mem>>) src(%arg19 : memref<16xi32, #tpu.memory_space<vmem>>) dst(%dma_wait3A_543 : memref<16xi32, #tpu.memory_space<hbm>>)
        tpu.yield
      }) : () -> ()
      "tpu.region"() ({
        %run_scoped3A = tpu.sem_alloc : memref<!tpu.dma_semaphore, #tpu.memory_space<semaphore_mem>>
        %dma_start3A_532 = arith.constant 0 : i32
        %dma_start3A_533 = tpu.memref_slice %arg8[%add3A, %dma_start3A_532] : memref<16x16xf32, #tpu.memory_space<hbm>> -> memref<1x16xf32, #tpu.memory_space<hbm>>
        %dma_start3A_534 = tpu.memref_squeeze %dma_start3A_533 : memref<1x16xf32, #tpu.memory_space<hbm>> -> memref<16xf32, #tpu.memory_space<hbm>>
        %dma_start3A_535 = arith.constant 0 : i32
        %dma_start3A_536 = tpu.memref_slice %arg8[%add3A, %dma_start3A_535] : memref<16x16xf32, #tpu.memory_space<hbm>> -> memref<1x16xf32, #tpu.memory_space<hbm>>
        %dma_start3A_537 = tpu.memref_squeeze %dma_start3A_536 : memref<1x16xf32, #tpu.memory_space<hbm>> -> memref<16xf32, #tpu.memory_space<hbm>>
        tpu.enqueue_dma source(%arg20 : memref<16xf32, #tpu.memory_space<vmem>>) target(%dma_start3A_537 : memref<16xf32, #tpu.memory_space<hbm>>) target_semaphore(%run_scoped3A : memref<!tpu.dma_semaphore, #tpu.memory_space<semaphore_mem>>)
        %dma_wait3A_538 = arith.constant 0 : i32
        %dma_wait3A_539 = tpu.memref_slice %arg8[%add3A, %dma_wait3A_538] : memref<16x16xf32, #tpu.memory_space<hbm>> -> memref<1x16xf32, #tpu.memory_space<hbm>>
        %dma_wait3A_540 = tpu.memref_squeeze %dma_wait3A_539 : memref<1x16xf32, #tpu.memory_space<hbm>> -> memref<16xf32, #tpu.memory_space<hbm>>
        %dma_wait3A_541 = arith.constant 0 : i32
        %dma_wait3A_542 = tpu.memref_slice %arg8[%add3A, %dma_wait3A_541] : memref<16x16xf32, #tpu.memory_space<hbm>> -> memref<1x16xf32, #tpu.memory_space<hbm>>
        %dma_wait3A_543 = tpu.memref_squeeze %dma_wait3A_542 : memref<1x16xf32, #tpu.memory_space<hbm>> -> memref<16xf32, #tpu.memory_space<hbm>>
        tpu.wait_dma2 semaphore(%run_scoped3A : memref<!tpu.dma_semaphore, #tpu.memory_space<semaphore_mem>>) src(%arg20 : memref<16xf32, #tpu.memory_space<vmem>>) dst(%dma_wait3A_543 : memref<16xf32, #tpu.memory_space<hbm>>)
        tpu.yield
      }) : () -> ()
      "tpu.region"() ({
        %run_scoped3A = tpu.sem_alloc : memref<!tpu.dma_semaphore, #tpu.memory_space<semaphore_mem>>
        %dma_start3A_532 = arith.constant 0 : i32
        %dma_start3A_533 = tpu.memref_slice %arg9[%add3A, %dma_start3A_532] : memref<16x16xf32, #tpu.memory_space<hbm>> -> memref<1x16xf32, #tpu.memory_space<hbm>>
        %dma_start3A_534 = tpu.memref_squeeze %dma_start3A_533 : memref<1x16xf32, #tpu.memory_space<hbm>> -> memref<16xf32, #tpu.memory_space<hbm>>
        %dma_start3A_535 = arith.constant 0 : i32
        %dma_start3A_536 = tpu.memref_slice %arg9[%add3A, %dma_start3A_535] : memref<16x16xf32, #tpu.memory_space<hbm>> -> memref<1x16xf32, #tpu.memory_space<hbm>>
        %dma_start3A_537 = tpu.memref_squeeze %dma_start3A_536 : memref<1x16xf32, #tpu.memory_space<hbm>> -> memref<16xf32, #tpu.memory_space<hbm>>
        tpu.enqueue_dma source(%arg21 : memref<16xf32, #tpu.memory_space<vmem>>) target(%dma_start3A_537 : memref<16xf32, #tpu.memory_space<hbm>>) target_semaphore(%run_scoped3A : memref<!tpu.dma_semaphore, #tpu.memory_space<semaphore_mem>>)
        %dma_wait3A_538 = arith.constant 0 : i32
        %dma_wait3A_539 = tpu.memref_slice %arg9[%add3A, %dma_wait3A_538] : memref<16x16xf32, #tpu.memory_space<hbm>> -> memref<1x16xf32, #tpu.memory_space<hbm>>
        %dma_wait3A_540 = tpu.memref_squeeze %dma_wait3A_539 : memref<1x16xf32, #tpu.memory_space<hbm>> -> memref<16xf32, #tpu.memory_space<hbm>>
        %dma_wait3A_541 = arith.constant 0 : i32
        %dma_wait3A_542 = tpu.memref_slice %arg9[%add3A, %dma_wait3A_541] : memref<16x16xf32, #tpu.memory_space<hbm>> -> memref<1x16xf32, #tpu.memory_space<hbm>>
        %dma_wait3A_543 = tpu.memref_squeeze %dma_wait3A_542 : memref<1x16xf32, #tpu.memory_space<hbm>> -> memref<16xf32, #tpu.memory_space<hbm>>
        tpu.wait_dma2 semaphore(%run_scoped3A : memref<!tpu.dma_semaphore, #tpu.memory_space<semaphore_mem>>) src(%arg21 : memref<16xf32, #tpu.memory_space<vmem>>) dst(%dma_wait3A_543 : memref<16xf32, #tpu.memory_space<hbm>>)
        tpu.yield
      }) : () -> ()
      "tpu.region"() ({
        %run_scoped3A = tpu.sem_alloc : memref<!tpu.dma_semaphore, #tpu.memory_space<semaphore_mem>>
        %dma_start3A_532 = arith.constant 0 : i32
        %dma_start3A_533 = tpu.memref_slice %arg10[%add3A, %dma_start3A_532] : memref<16x16xf32, #tpu.memory_space<hbm>> -> memref<1x16xf32, #tpu.memory_space<hbm>>
        %dma_start3A_534 = tpu.memref_squeeze %dma_start3A_533 : memref<1x16xf32, #tpu.memory_space<hbm>> -> memref<16xf32, #tpu.memory_space<hbm>>
        %dma_start3A_535 = arith.constant 0 : i32
        %dma_start3A_536 = tpu.memref_slice %arg10[%add3A, %dma_start3A_535] : memref<16x16xf32, #tpu.memory_space<hbm>> -> memref<1x16xf32, #tpu.memory_space<hbm>>
        %dma_start3A_537 = tpu.memref_squeeze %dma_start3A_536 : memref<1x16xf32, #tpu.memory_space<hbm>> -> memref<16xf32, #tpu.memory_space<hbm>>
        tpu.enqueue_dma source(%arg22 : memref<16xf32, #tpu.memory_space<vmem>>) target(%dma_start3A_537 : memref<16xf32, #tpu.memory_space<hbm>>) target_semaphore(%run_scoped3A : memref<!tpu.dma_semaphore, #tpu.memory_space<semaphore_mem>>)
        %dma_wait3A_538 = arith.constant 0 : i32
        %dma_wait3A_539 = tpu.memref_slice %arg10[%add3A, %dma_wait3A_538] : memref<16x16xf32, #tpu.memory_space<hbm>> -> memref<1x16xf32, #tpu.memory_space<hbm>>
        %dma_wait3A_540 = tpu.memref_squeeze %dma_wait3A_539 : memref<1x16xf32, #tpu.memory_space<hbm>> -> memref<16xf32, #tpu.memory_space<hbm>>
        %dma_wait3A_541 = arith.constant 0 : i32
        %dma_wait3A_542 = tpu.memref_slice %arg10[%add3A, %dma_wait3A_541] : memref<16x16xf32, #tpu.memory_space<hbm>> -> memref<1x16xf32, #tpu.memory_space<hbm>>
        %dma_wait3A_543 = tpu.memref_squeeze %dma_wait3A_542 : memref<1x16xf32, #tpu.memory_space<hbm>> -> memref<16xf32, #tpu.memory_space<hbm>>
        tpu.wait_dma2 semaphore(%run_scoped3A : memref<!tpu.dma_semaphore, #tpu.memory_space<semaphore_mem>>) src(%arg22 : memref<16xf32, #tpu.memory_space<vmem>>) dst(%dma_wait3A_543 : memref<16xf32, #tpu.memory_space<hbm>>)
        tpu.yield
      }) : () -> ()
      "tpu.region"() ({
        %run_scoped3A = tpu.sem_alloc : memref<!tpu.dma_semaphore, #tpu.memory_space<semaphore_mem>>
        %dma_start3A_532 = arith.constant 0 : i32
        %dma_start3A_533 = arith.constant 0 : i32
        %dma_start3A_534 = tpu.memref_slice %arg11[%add3A, %dma_start3A_532, %dma_start3A_533] : memref<16x8x768xf32, #tpu.memory_space<hbm>> -> memref<1x8x768xf32, #tpu.memory_space<hbm>>
        %dma_start3A_535 = tpu.memref_squeeze %dma_start3A_534 : memref<1x8x768xf32, #tpu.memory_space<hbm>> -> memref<8x768xf32, #tpu.memory_space<hbm>>
        %dma_start3A_536 = arith.constant 0 : i32
        %dma_start3A_537 = arith.constant 0 : i32
        %dma_start3A_538 = tpu.memref_slice %arg11[%add3A, %dma_start3A_536, %dma_start3A_537] : memref<16x8x768xf32, #tpu.memory_space<hbm>> -> memref<1x8x768xf32, #tpu.memory_space<hbm>>
        %dma_start3A_539 = tpu.memref_squeeze %dma_start3A_538 : memref<1x8x768xf32, #tpu.memory_space<hbm>> -> memref<8x768xf32, #tpu.memory_space<hbm>>
        tpu.enqueue_dma source(%arg17 : memref<8x768xf32, #tpu.memory_space<vmem>>) target(%dma_start3A_539 : memref<8x768xf32, #tpu.memory_space<hbm>>) target_semaphore(%run_scoped3A : memref<!tpu.dma_semaphore, #tpu.memory_space<semaphore_mem>>)
        %dma_wait3A_540 = arith.constant 0 : i32
        %dma_wait3A_541 = arith.constant 0 : i32
        %dma_wait3A_542 = tpu.memref_slice %arg11[%add3A, %dma_wait3A_540, %dma_wait3A_541] : memref<16x8x768xf32, #tpu.memory_space<hbm>> -> memref<1x8x768xf32, #tpu.memory_space<hbm>>
        %dma_wait3A_543 = tpu.memref_squeeze %dma_wait3A_542 : memref<1x8x768xf32, #tpu.memory_space<hbm>> -> memref<8x768xf32, #tpu.memory_space<hbm>>
        %dma_wait3A_544 = arith.constant 0 : i32
        %dma_wait3A_545 = arith.constant 0 : i32
        %dma_wait3A_546 = tpu.memref_slice %arg11[%add3A, %dma_wait3A_544, %dma_wait3A_545] : memref<16x8x768xf32, #tpu.memory_space<hbm>> -> memref<1x8x768xf32, #tpu.memory_space<hbm>>
        %dma_wait3A_547 = tpu.memref_squeeze %dma_wait3A_546 : memref<1x8x768xf32, #tpu.memory_space<hbm>> -> memref<8x768xf32, #tpu.memory_space<hbm>>
        tpu.wait_dma2 semaphore(%run_scoped3A : memref<!tpu.dma_semaphore, #tpu.memory_space<semaphore_mem>>) src(%arg17 : memref<8x768xf32, #tpu.memory_space<vmem>>) dst(%dma_wait3A_547 : memref<8x768xf32, #tpu.memory_space<hbm>>)
        tpu.yield
      }) : () -> ()
    } else {
    }
    return
  }
}

module attributes {stable_mosaic.version = 14 : i64} {
  func.func @_tc_mlp_body(%arg0: memref<16x1xf32, #tpu.memory_space<vmem>>, %arg1: memref<16x1xf32, #tpu.memory_space<vmem>>, %arg2: memref<4x256xf32, #tpu.memory_space<vmem>>, %arg3: memref<1x256xf32, #tpu.memory_space<vmem>>, %arg4: memref<256x128xf32, #tpu.memory_space<vmem>>, %arg5: memref<1x128xf32, #tpu.memory_space<vmem>>, %arg6: memref<128x1xf32, #tpu.memory_space<vmem>>, %arg7: memref<1x1xf32, #tpu.memory_space<vmem>>, %arg8: memref<769x256xf32, #tpu.memory_space<vmem>>, %arg9: memref<1x256xf32, #tpu.memory_space<vmem>>, %arg10: memref<256x2xf32, #tpu.memory_space<vmem>>, %arg11: memref<1x2xf32, #tpu.memory_space<vmem>>, %arg12: memref<16x16xf32, #tpu.memory_space<vmem>>, %arg13: memref<16x16xi32, #tpu.memory_space<vmem>>, %arg14: memref<16x16xf32, #tpu.memory_space<vmem>>, %arg15: memref<16x16xf32, #tpu.memory_space<vmem>>, %arg16: memref<16x16xf32, #tpu.memory_space<vmem>>, %arg17: memref<16x8x768xf32, #tpu.memory_space<vmem>>, %arg18: memref<16x1xf32, #tpu.memory_space<vmem>>, %arg19: memref<16x5xf32, #tpu.memory_space<vmem>>, %arg20: memref<16x5xi32, #tpu.memory_space<vmem>>, %arg21: memref<16x5xf32, #tpu.memory_space<vmem>>, %arg22: memref<16x5xi32, #tpu.memory_space<vmem>>, %arg23: memref<16x1xf32, #tpu.memory_space<vmem>>, %arg24: memref<16x5xf32, #tpu.memory_space<vmem>>) attributes {dimension_semantics = [], scalar_prefetch = 0 : i64, scratch_operands = 0 : i64, tpu.core_type = #tpu.core_type<tc>} {
    %get3A = arith.constant 0 : index
    %get3A_0 = arith.constant 0 : index
    %get3A_1 = vector.load %arg0[%get3A, %get3A_0] : memref<16x1xf32, #tpu.memory_space<vmem>>, vector<16x1xf32>
    %get3A_2 = arith.constant 0 : index
    %get3A_3 = arith.constant 0 : index
    %get3A_4 = vector.load %arg1[%get3A_2, %get3A_3] : memref<16x1xf32, #tpu.memory_space<vmem>>, vector<16x1xf32>
    %get3A_5 = arith.constant 0 : index
    %get3A_6 = arith.constant 0 : index
    %get3A_7 = vector.load %arg2[%get3A_5, %get3A_6] : memref<4x256xf32, #tpu.memory_space<vmem>>, vector<4x256xf32>
    %slice3A = vector.extract_strided_slice %get3A_7 {offsets = [2, 0], sizes = [1, 256], strides = [1, 1]} : vector<4x256xf32> to vector<1x256xf32>
    %mul3A = arith.constant 3.000000e+00 : f32
    %mul3A_8 = vector.broadcast %mul3A : f32 to vector<1x256xf32>
    %mul3A_9 = arith.mulf %mul3A_8, %slice3A : vector<1x256xf32>
    %slice3A_10 = vector.extract_strided_slice %get3A_7 {offsets = [3, 0], sizes = [1, 256], strides = [1, 1]} : vector<4x256xf32> to vector<1x256xf32>
    %mul3A_11 = arith.constant 0.00999999977 : f32
    %mul3A_12 = vector.broadcast %mul3A_11 : f32 to vector<1x256xf32>
    %mul3A_13 = arith.mulf %mul3A_12, %slice3A_10 : vector<1x256xf32>
    %add3A = arith.addf %mul3A_9, %mul3A_13 : vector<1x256xf32>
    %get3A_14 = arith.constant 0 : index
    %get3A_15 = arith.constant 0 : index
    %get3A_16 = vector.load %arg3[%get3A_14, %get3A_15] : memref<1x256xf32, #tpu.memory_space<vmem>>, vector<1x256xf32>
    %add3A_17 = arith.addf %add3A, %get3A_16 : vector<1x256xf32>
    %slice3A_18 = vector.extract_strided_slice %get3A_7 {offsets = [0, 0], sizes = [1, 256], strides = [1, 1]} : vector<4x256xf32> to vector<1x256xf32>
    %mul3A_19 = vector.broadcast %get3A_1 : vector<16x1xf32> to vector<16x256xf32>
    %mul3A_20 = vector.broadcast %slice3A_18 : vector<1x256xf32> to vector<16x256xf32>
    %mul3A_21 = arith.mulf %mul3A_19, %mul3A_20 : vector<16x256xf32>
    %slice3A_22 = vector.extract_strided_slice %get3A_7 {offsets = [1, 0], sizes = [1, 256], strides = [1, 1]} : vector<4x256xf32> to vector<1x256xf32>
    %mul3A_23 = vector.broadcast %get3A_4 : vector<16x1xf32> to vector<16x256xf32>
    %mul3A_24 = vector.broadcast %slice3A_22 : vector<1x256xf32> to vector<16x256xf32>
    %mul3A_25 = arith.mulf %mul3A_23, %mul3A_24 : vector<16x256xf32>
    %add3A_26 = arith.addf %mul3A_21, %mul3A_25 : vector<16x256xf32>
    %add3A_27 = vector.broadcast %add3A_17 : vector<1x256xf32> to vector<16x256xf32>
    %add3A_28 = arith.addf %add3A_26, %add3A_27 : vector<16x256xf32>
    %max3A = arith.constant 0.000000e+00 : f32
    %max3A_29 = vector.broadcast %max3A : f32 to vector<16x256xf32>
    %max3A_30 = arith.maximumf %add3A_28, %max3A_29 : vector<16x256xf32>
    %get3A_31 = arith.constant 0 : index
    %get3A_32 = arith.constant 0 : index
    %get3A_33 = vector.load %arg4[%get3A_31, %get3A_32] : memref<256x128xf32, #tpu.memory_space<vmem>>, vector<256x128xf32>
    %dot_general3A = arith.constant dense<0.000000e+00> : vector<16x128xf32>
    %dot_general3A_34 = tpu.matmul %max3A_30, %get3A_33, %dot_general3A {dimension_numbers = #tpu.dot_dimension_numbers<[1], [0], [0], [1], [0, 0, 1, 1], [], []>, transpose_lhs_hint = false} : vector<16x256xf32>, vector<256x128xf32>, vector<16x128xf32> -> vector<16x128xf32>
    %get3A_35 = arith.constant 0 : index
    %get3A_36 = arith.constant 0 : index
    %get3A_37 = vector.load %arg5[%get3A_35, %get3A_36] : memref<1x128xf32, #tpu.memory_space<vmem>>, vector<1x128xf32>
    %add3A_38 = vector.broadcast %get3A_37 : vector<1x128xf32> to vector<16x128xf32>
    %add3A_39 = arith.addf %dot_general3A_34, %add3A_38 : vector<16x128xf32>
    %max3A_40 = arith.constant 0.000000e+00 : f32
    %max3A_41 = vector.broadcast %max3A_40 : f32 to vector<16x128xf32>
    %max3A_42 = arith.maximumf %add3A_39, %max3A_41 : vector<16x128xf32>
    %get3A_43 = arith.constant 0 : index
    %get3A_44 = arith.constant 0 : index
    %get3A_45 = vector.load %arg6[%get3A_43, %get3A_44] : memref<128x1xf32, #tpu.memory_space<vmem>>, vector<128x1xf32>
    %dot_general3A_46 = arith.constant dense<0.000000e+00> : vector<16x1xf32>
    %dot_general3A_47 = tpu.matmul %max3A_42, %get3A_45, %dot_general3A_46 {dimension_numbers = #tpu.dot_dimension_numbers<[1], [0], [0], [1], [0, 0, 1, 1], [], []>, transpose_lhs_hint = false} : vector<16x128xf32>, vector<128x1xf32>, vector<16x1xf32> -> vector<16x1xf32>
    %get3A_48 = arith.constant 0 : index
    %get3A_49 = arith.constant 0 : index
    %get3A_50 = vector.load %arg7[%get3A_48, %get3A_49] : memref<1x1xf32, #tpu.memory_space<vmem>>, vector<1x1xf32>
    %add3A_51 = vector.broadcast %get3A_50 : vector<1x1xf32> to vector<16x1xf32>
    %add3A_52 = arith.addf %dot_general3A_47, %add3A_51 : vector<16x1xf32>
    %neg3A = arith.constant 0.000000e+00 : f32
    %neg3A_53 = vector.broadcast %neg3A : f32 to vector<16x1xf32>
    %neg3A_54 = arith.subf %neg3A_53, %add3A_52 : vector<16x1xf32>
    %exp3A = math.exp %neg3A_54 : vector<16x1xf32>
    %add3A_55 = arith.constant 1.000000e+00 : f32
    %add3A_56 = vector.broadcast %add3A_55 : f32 to vector<16x1xf32>
    %add3A_57 = arith.addf %add3A_56, %exp3A : vector<16x1xf32>
    %div3A = arith.constant 1.000000e+00 : f32
    %div3A_58 = vector.broadcast %div3A : f32 to vector<16x1xf32>
    %div3A_59 = arith.divf %div3A_58, %add3A_57 : vector<16x1xf32>
    %swap3A = arith.constant 0 : index
    %swap3A_60 = arith.constant 0 : index
    %swap3A_61 = vector.load %arg18[%swap3A, %swap3A_60] : memref<16x1xf32, #tpu.memory_space<vmem>>, vector<16x1xf32>
    tpu.vector_store %arg18[%swap3A, %swap3A_60], %div3A_59 {strides = array<i32>} : memref<16x1xf32, #tpu.memory_space<vmem>>, vector<16x1xf32>,
    %get3A_62 = arith.constant 0 : index
    %get3A_63 = arith.constant 0 : index
    %get3A_64 = vector.load %arg8[%get3A_62, %get3A_63] : memref<769x256xf32, #tpu.memory_space<vmem>>, vector<768x256xf32>
    %get3A_65 = arith.constant 768 : index
    %get3A_66 = arith.constant 0 : index
    %get3A_67 = vector.load %arg8[%get3A_65, %get3A_66] : memref<769x256xf32, #tpu.memory_space<vmem>>, vector<1x256xf32>
    %get3A_68 = arith.constant 0 : index
    %get3A_69 = arith.constant 0 : index
    %get3A_70 = vector.load %arg9[%get3A_68, %get3A_69] : memref<1x256xf32, #tpu.memory_space<vmem>>, vector<1x256xf32>
    %get3A_71 = arith.constant 0 : index
    %get3A_72 = arith.constant 0 : index
    %get3A_73 = vector.load %arg10[%get3A_71, %get3A_72] : memref<256x2xf32, #tpu.memory_space<vmem>>, vector<256x2xf32>
    %slice3A_74 = vector.extract_strided_slice %get3A_73 {offsets = [0, 1], sizes = [256, 1], strides = [1, 1]} : vector<256x2xf32> to vector<256x1xf32>
    %slice3A_75 = vector.extract_strided_slice %get3A_73 {offsets = [0, 0], sizes = [256, 1], strides = [1, 1]} : vector<256x2xf32> to vector<256x1xf32>
    %sub3A = arith.subf %slice3A_74, %slice3A_75 : vector<256x1xf32>
    %get3A_76 = arith.constant 0 : index
    %get3A_77 = arith.constant 0 : index
    %get3A_78 = vector.load %arg11[%get3A_76, %get3A_77] : memref<1x2xf32, #tpu.memory_space<vmem>>, vector<1x2xf32>
    %slice3A_79 = vector.extract_strided_slice %get3A_78 {offsets = [0, 1], sizes = [1, 1], strides = [1, 1]} : vector<1x2xf32> to vector<1x1xf32>
    %slice3A_80 = vector.extract_strided_slice %get3A_78 {offsets = [0, 0], sizes = [1, 1], strides = [1, 1]} : vector<1x2xf32> to vector<1x1xf32>
    %sub3A_81 = arith.subf %slice3A_79, %slice3A_80 : vector<1x1xf32>
    %get3A_82 = arith.constant 0 : index
    %get3A_83 = arith.constant 0 : index
    %get3A_84 = vector.load %arg14[%get3A_82, %get3A_83] : memref<16x16xf32, #tpu.memory_space<vmem>>, vector<16x16xf32>
    %get3A_85 = arith.constant 0 : index
    %get3A_86 = arith.constant 0 : index
    %get3A_87 = arith.constant 0 : index
    %get3A_88 = vector.load %arg17[%get3A_85, %get3A_86, %get3A_87] : memref<16x8x768xf32, #tpu.memory_space<vmem>>, vector<16x1x768xf32>
    %get3A_89 = vector.shape_cast %get3A_88 : vector<16x1x768xf32> to vector<16x768xf32>
    %dot_general3A_90 = arith.constant dense<0.000000e+00> : vector<16x256xf32>
    %dot_general3A_91 = tpu.matmul %get3A_89, %get3A_64, %dot_general3A_90 {dimension_numbers = #tpu.dot_dimension_numbers<[1], [0], [0], [1], [0, 0, 1, 1], [], []>, transpose_lhs_hint = false} : vector<16x768xf32>, vector<768x256xf32>, vector<16x256xf32> -> vector<16x256xf32>
    %slice3A_92 = vector.extract_strided_slice %get3A_84 {offsets = [0, 0], sizes = [16, 1], strides = [1, 1]} : vector<16x16xf32> to vector<16x1xf32>
    %mul3A_93 = vector.broadcast %slice3A_92 : vector<16x1xf32> to vector<16x256xf32>
    %mul3A_94 = vector.broadcast %get3A_67 : vector<1x256xf32> to vector<16x256xf32>
    %mul3A_95 = arith.mulf %mul3A_93, %mul3A_94 : vector<16x256xf32>
    %add3A_96 = arith.addf %dot_general3A_91, %mul3A_95 : vector<16x256xf32>
    %add3A_97 = vector.broadcast %get3A_70 : vector<1x256xf32> to vector<16x256xf32>
    %add3A_98 = arith.addf %add3A_96, %add3A_97 : vector<16x256xf32>
    %max3A_99 = arith.constant 0.000000e+00 : f32
    %max3A_100 = vector.broadcast %max3A_99 : f32 to vector<16x256xf32>
    %max3A_101 = arith.maximumf %add3A_98, %max3A_100 : vector<16x256xf32>
    %dot_general3A_102 = arith.constant dense<0.000000e+00> : vector<16x1xf32>
    %dot_general3A_103 = tpu.matmul %max3A_101, %sub3A, %dot_general3A_102 {dimension_numbers = #tpu.dot_dimension_numbers<[1], [0], [0], [1], [0, 0, 1, 1], [], []>, transpose_lhs_hint = false} : vector<16x256xf32>, vector<256x1xf32>, vector<16x1xf32> -> vector<16x1xf32>
    %add3A_104 = vector.broadcast %sub3A_81 : vector<1x1xf32> to vector<16x1xf32>
    %add3A_105 = arith.addf %dot_general3A_103, %add3A_104 : vector<16x1xf32>
    %neg3A_106 = arith.constant 0.000000e+00 : f32
    %neg3A_107 = vector.broadcast %neg3A_106 : f32 to vector<16x1xf32>
    %neg3A_108 = arith.subf %neg3A_107, %add3A_105 : vector<16x1xf32>
    %exp3A_109 = math.exp %neg3A_108 : vector<16x1xf32>
    %add3A_110 = arith.constant 1.000000e+00 : f32
    %add3A_111 = vector.broadcast %add3A_110 : f32 to vector<16x1xf32>
    %add3A_112 = arith.addf %add3A_111, %exp3A_109 : vector<16x1xf32>
    %div3A_113 = arith.constant 1.000000e+00 : f32
    %div3A_114 = vector.broadcast %div3A_113 : f32 to vector<16x1xf32>
    %div3A_115 = arith.divf %div3A_114, %add3A_112 : vector<16x1xf32>
    %get3A_116 = arith.constant 0 : index
    %get3A_117 = arith.constant 1 : index
    %get3A_118 = arith.constant 0 : index
    %get3A_119 = vector.load %arg17[%get3A_116, %get3A_117, %get3A_118] : memref<16x8x768xf32, #tpu.memory_space<vmem>>, vector<16x1x768xf32>
    %get3A_120 = vector.shape_cast %get3A_119 : vector<16x1x768xf32> to vector<16x768xf32>
    %dot_general3A_121 = arith.constant dense<0.000000e+00> : vector<16x256xf32>
    %dot_general3A_122 = tpu.matmul %get3A_120, %get3A_64, %dot_general3A_121 {dimension_numbers = #tpu.dot_dimension_numbers<[1], [0], [0], [1], [0, 0, 1, 1], [], []>, transpose_lhs_hint = false} : vector<16x768xf32>, vector<768x256xf32>, vector<16x256xf32> -> vector<16x256xf32>
    %slice3A_123 = vector.extract_strided_slice %get3A_84 {offsets = [0, 1], sizes = [16, 1], strides = [1, 1]} : vector<16x16xf32> to vector<16x1xf32>
    %mul3A_124 = vector.broadcast %slice3A_123 : vector<16x1xf32> to vector<16x256xf32>
    %mul3A_125 = vector.broadcast %get3A_67 : vector<1x256xf32> to vector<16x256xf32>
    %mul3A_126 = arith.mulf %mul3A_124, %mul3A_125 : vector<16x256xf32>
    %add3A_127 = arith.addf %dot_general3A_122, %mul3A_126 : vector<16x256xf32>
    %add3A_128 = vector.broadcast %get3A_70 : vector<1x256xf32> to vector<16x256xf32>
    %add3A_129 = arith.addf %add3A_127, %add3A_128 : vector<16x256xf32>
    %max3A_130 = arith.constant 0.000000e+00 : f32
    %max3A_131 = vector.broadcast %max3A_130 : f32 to vector<16x256xf32>
    %max3A_132 = arith.maximumf %add3A_129, %max3A_131 : vector<16x256xf32>
    %dot_general3A_133 = arith.constant dense<0.000000e+00> : vector<16x1xf32>
    %dot_general3A_134 = tpu.matmul %max3A_132, %sub3A, %dot_general3A_133 {dimension_numbers = #tpu.dot_dimension_numbers<[1], [0], [0], [1], [0, 0, 1, 1], [], []>, transpose_lhs_hint = false} : vector<16x256xf32>, vector<256x1xf32>, vector<16x1xf32> -> vector<16x1xf32>
    %add3A_135 = vector.broadcast %sub3A_81 : vector<1x1xf32> to vector<16x1xf32>
    %add3A_136 = arith.addf %dot_general3A_134, %add3A_135 : vector<16x1xf32>
    %neg3A_137 = arith.constant 0.000000e+00 : f32
    %neg3A_138 = vector.broadcast %neg3A_137 : f32 to vector<16x1xf32>
    %neg3A_139 = arith.subf %neg3A_138, %add3A_136 : vector<16x1xf32>
    %exp3A_140 = math.exp %neg3A_139 : vector<16x1xf32>
    %add3A_141 = arith.constant 1.000000e+00 : f32
    %add3A_142 = vector.broadcast %add3A_141 : f32 to vector<16x1xf32>
    %add3A_143 = arith.addf %add3A_142, %exp3A_140 : vector<16x1xf32>
    %div3A_144 = arith.constant 1.000000e+00 : f32
    %div3A_145 = vector.broadcast %div3A_144 : f32 to vector<16x1xf32>
    %div3A_146 = arith.divf %div3A_145, %add3A_143 : vector<16x1xf32>
    %get3A_147 = arith.constant 0 : index
    %get3A_148 = arith.constant 2 : index
    %get3A_149 = arith.constant 0 : index
    %get3A_150 = vector.load %arg17[%get3A_147, %get3A_148, %get3A_149] : memref<16x8x768xf32, #tpu.memory_space<vmem>>, vector<16x1x768xf32>
    %get3A_151 = vector.shape_cast %get3A_150 : vector<16x1x768xf32> to vector<16x768xf32>
    %dot_general3A_152 = arith.constant dense<0.000000e+00> : vector<16x256xf32>
    %dot_general3A_153 = tpu.matmul %get3A_151, %get3A_64, %dot_general3A_152 {dimension_numbers = #tpu.dot_dimension_numbers<[1], [0], [0], [1], [0, 0, 1, 1], [], []>, transpose_lhs_hint = false} : vector<16x768xf32>, vector<768x256xf32>, vector<16x256xf32> -> vector<16x256xf32>
    %slice3A_154 = vector.extract_strided_slice %get3A_84 {offsets = [0, 2], sizes = [16, 1], strides = [1, 1]} : vector<16x16xf32> to vector<16x1xf32>
    %mul3A_155 = vector.broadcast %slice3A_154 : vector<16x1xf32> to vector<16x256xf32>
    %mul3A_156 = vector.broadcast %get3A_67 : vector<1x256xf32> to vector<16x256xf32>
    %mul3A_157 = arith.mulf %mul3A_155, %mul3A_156 : vector<16x256xf32>
    %add3A_158 = arith.addf %dot_general3A_153, %mul3A_157 : vector<16x256xf32>
    %add3A_159 = vector.broadcast %get3A_70 : vector<1x256xf32> to vector<16x256xf32>
    %add3A_160 = arith.addf %add3A_158, %add3A_159 : vector<16x256xf32>
    %max3A_161 = arith.constant 0.000000e+00 : f32
    %max3A_162 = vector.broadcast %max3A_161 : f32 to vector<16x256xf32>
    %max3A_163 = arith.maximumf %add3A_160, %max3A_162 : vector<16x256xf32>
    %dot_general3A_164 = arith.constant dense<0.000000e+00> : vector<16x1xf32>
    %dot_general3A_165 = tpu.matmul %max3A_163, %sub3A, %dot_general3A_164 {dimension_numbers = #tpu.dot_dimension_numbers<[1], [0], [0], [1], [0, 0, 1, 1], [], []>, transpose_lhs_hint = false} : vector<16x256xf32>, vector<256x1xf32>, vector<16x1xf32> -> vector<16x1xf32>
    %add3A_166 = vector.broadcast %sub3A_81 : vector<1x1xf32> to vector<16x1xf32>
    %add3A_167 = arith.addf %dot_general3A_165, %add3A_166 : vector<16x1xf32>
    %neg3A_168 = arith.constant 0.000000e+00 : f32
    %neg3A_169 = vector.broadcast %neg3A_168 : f32 to vector<16x1xf32>
    %neg3A_170 = arith.subf %neg3A_169, %add3A_167 : vector<16x1xf32>
    %exp3A_171 = math.exp %neg3A_170 : vector<16x1xf32>
    %add3A_172 = arith.constant 1.000000e+00 : f32
    %add3A_173 = vector.broadcast %add3A_172 : f32 to vector<16x1xf32>
    %add3A_174 = arith.addf %add3A_173, %exp3A_171 : vector<16x1xf32>
    %div3A_175 = arith.constant 1.000000e+00 : f32
    %div3A_176 = vector.broadcast %div3A_175 : f32 to vector<16x1xf32>
    %div3A_177 = arith.divf %div3A_176, %add3A_174 : vector<16x1xf32>
    %get3A_178 = arith.constant 0 : index
    %get3A_179 = arith.constant 3 : index
    %get3A_180 = arith.constant 0 : index
    %get3A_181 = vector.load %arg17[%get3A_178, %get3A_179, %get3A_180] : memref<16x8x768xf32, #tpu.memory_space<vmem>>, vector<16x1x768xf32>
    %get3A_182 = vector.shape_cast %get3A_181 : vector<16x1x768xf32> to vector<16x768xf32>
    %dot_general3A_183 = arith.constant dense<0.000000e+00> : vector<16x256xf32>
    %dot_general3A_184 = tpu.matmul %get3A_182, %get3A_64, %dot_general3A_183 {dimension_numbers = #tpu.dot_dimension_numbers<[1], [0], [0], [1], [0, 0, 1, 1], [], []>, transpose_lhs_hint = false} : vector<16x768xf32>, vector<768x256xf32>, vector<16x256xf32> -> vector<16x256xf32>
    %slice3A_185 = vector.extract_strided_slice %get3A_84 {offsets = [0, 3], sizes = [16, 1], strides = [1, 1]} : vector<16x16xf32> to vector<16x1xf32>
    %mul3A_186 = vector.broadcast %slice3A_185 : vector<16x1xf32> to vector<16x256xf32>
    %mul3A_187 = vector.broadcast %get3A_67 : vector<1x256xf32> to vector<16x256xf32>
    %mul3A_188 = arith.mulf %mul3A_186, %mul3A_187 : vector<16x256xf32>
    %add3A_189 = arith.addf %dot_general3A_184, %mul3A_188 : vector<16x256xf32>
    %add3A_190 = vector.broadcast %get3A_70 : vector<1x256xf32> to vector<16x256xf32>
    %add3A_191 = arith.addf %add3A_189, %add3A_190 : vector<16x256xf32>
    %max3A_192 = arith.constant 0.000000e+00 : f32
    %max3A_193 = vector.broadcast %max3A_192 : f32 to vector<16x256xf32>
    %max3A_194 = arith.maximumf %add3A_191, %max3A_193 : vector<16x256xf32>
    %dot_general3A_195 = arith.constant dense<0.000000e+00> : vector<16x1xf32>
    %dot_general3A_196 = tpu.matmul %max3A_194, %sub3A, %dot_general3A_195 {dimension_numbers = #tpu.dot_dimension_numbers<[1], [0], [0], [1], [0, 0, 1, 1], [], []>, transpose_lhs_hint = false} : vector<16x256xf32>, vector<256x1xf32>, vector<16x1xf32> -> vector<16x1xf32>
    %add3A_197 = vector.broadcast %sub3A_81 : vector<1x1xf32> to vector<16x1xf32>
    %add3A_198 = arith.addf %dot_general3A_196, %add3A_197 : vector<16x1xf32>
    %neg3A_199 = arith.constant 0.000000e+00 : f32
    %neg3A_200 = vector.broadcast %neg3A_199 : f32 to vector<16x1xf32>
    %neg3A_201 = arith.subf %neg3A_200, %add3A_198 : vector<16x1xf32>
    %exp3A_202 = math.exp %neg3A_201 : vector<16x1xf32>
    %add3A_203 = arith.constant 1.000000e+00 : f32
    %add3A_204 = vector.broadcast %add3A_203 : f32 to vector<16x1xf32>
    %add3A_205 = arith.addf %add3A_204, %exp3A_202 : vector<16x1xf32>
    %div3A_206 = arith.constant 1.000000e+00 : f32
    %div3A_207 = vector.broadcast %div3A_206 : f32 to vector<16x1xf32>
    %div3A_208 = arith.divf %div3A_207, %add3A_205 : vector<16x1xf32>
    %get3A_209 = arith.constant 0 : index
    %get3A_210 = arith.constant 4 : index
    %get3A_211 = arith.constant 0 : index
    %get3A_212 = vector.load %arg17[%get3A_209, %get3A_210, %get3A_211] : memref<16x8x768xf32, #tpu.memory_space<vmem>>, vector<16x1x768xf32>
    %get3A_213 = vector.shape_cast %get3A_212 : vector<16x1x768xf32> to vector<16x768xf32>
    %dot_general3A_214 = arith.constant dense<0.000000e+00> : vector<16x256xf32>
    %dot_general3A_215 = tpu.matmul %get3A_213, %get3A_64, %dot_general3A_214 {dimension_numbers = #tpu.dot_dimension_numbers<[1], [0], [0], [1], [0, 0, 1, 1], [], []>, transpose_lhs_hint = false} : vector<16x768xf32>, vector<768x256xf32>, vector<16x256xf32> -> vector<16x256xf32>
    %slice3A_216 = vector.extract_strided_slice %get3A_84 {offsets = [0, 4], sizes = [16, 1], strides = [1, 1]} : vector<16x16xf32> to vector<16x1xf32>
    %mul3A_217 = vector.broadcast %slice3A_216 : vector<16x1xf32> to vector<16x256xf32>
    %mul3A_218 = vector.broadcast %get3A_67 : vector<1x256xf32> to vector<16x256xf32>
    %mul3A_219 = arith.mulf %mul3A_217, %mul3A_218 : vector<16x256xf32>
    %add3A_220 = arith.addf %dot_general3A_215, %mul3A_219 : vector<16x256xf32>
    %add3A_221 = vector.broadcast %get3A_70 : vector<1x256xf32> to vector<16x256xf32>
    %add3A_222 = arith.addf %add3A_220, %add3A_221 : vector<16x256xf32>
    %max3A_223 = arith.constant 0.000000e+00 : f32
    %max3A_224 = vector.broadcast %max3A_223 : f32 to vector<16x256xf32>
    %max3A_225 = arith.maximumf %add3A_222, %max3A_224 : vector<16x256xf32>
    %dot_general3A_226 = arith.constant dense<0.000000e+00> : vector<16x1xf32>
    %dot_general3A_227 = tpu.matmul %max3A_225, %sub3A, %dot_general3A_226 {dimension_numbers = #tpu.dot_dimension_numbers<[1], [0], [0], [1], [0, 0, 1, 1], [], []>, transpose_lhs_hint = false} : vector<16x256xf32>, vector<256x1xf32>, vector<16x1xf32> -> vector<16x1xf32>
    %add3A_228 = vector.broadcast %sub3A_81 : vector<1x1xf32> to vector<16x1xf32>
    %add3A_229 = arith.addf %dot_general3A_227, %add3A_228 : vector<16x1xf32>
    %neg3A_230 = arith.constant 0.000000e+00 : f32
    %neg3A_231 = vector.broadcast %neg3A_230 : f32 to vector<16x1xf32>
    %neg3A_232 = arith.subf %neg3A_231, %add3A_229 : vector<16x1xf32>
    %exp3A_233 = math.exp %neg3A_232 : vector<16x1xf32>
    %add3A_234 = arith.constant 1.000000e+00 : f32
    %add3A_235 = vector.broadcast %add3A_234 : f32 to vector<16x1xf32>
    %add3A_236 = arith.addf %add3A_235, %exp3A_233 : vector<16x1xf32>
    %div3A_237 = arith.constant 1.000000e+00 : f32
    %div3A_238 = vector.broadcast %div3A_237 : f32 to vector<16x1xf32>
    %div3A_239 = arith.divf %div3A_238, %add3A_236 : vector<16x1xf32>
    %concatenate3A = tpu.concatenate %div3A_115, %div3A_146, %div3A_177, %div3A_208, %div3A_239 in 1 : vector<16x1xf32>, vector<16x1xf32>, vector<16x1xf32>, vector<16x1xf32>, vector<16x1xf32> -> vector<16x5xf32>
    %swap3A_240 = arith.constant 0 : index
    %swap3A_241 = arith.constant 0 : index
    %swap3A_242 = vector.load %arg21[%swap3A_240, %swap3A_241] : memref<16x5xf32, #tpu.memory_space<vmem>>, vector<16x5xf32>
    tpu.vector_store %arg21[%swap3A_240, %swap3A_241], %concatenate3A {strides = array<i32>} : memref<16x5xf32, #tpu.memory_space<vmem>>, vector<16x5xf32>,
    %get3A_243 = arith.constant 0 : index
    %get3A_244 = arith.constant 0 : index
    %get3A_245 = vector.load %arg12[%get3A_243, %get3A_244] : memref<16x16xf32, #tpu.memory_space<vmem>>, vector<16x16xf32>
    %slice3A_246 = vector.extract_strided_slice %get3A_245 {offsets = [0, 0], sizes = [16, 5], strides = [1, 1]} : vector<16x16xf32> to vector<16x5xf32>
    %get3A_247 = arith.constant 0 : index
    %get3A_248 = arith.constant 0 : index
    %get3A_249 = vector.load %arg16[%get3A_247, %get3A_248] : memref<16x16xf32, #tpu.memory_space<vmem>>, vector<16x16xf32>
    %slice3A_250 = vector.extract_strided_slice %get3A_249 {offsets = [0, 0], sizes = [16, 5], strides = [1, 1]} : vector<16x16xf32> to vector<16x5xf32>
    %gt3A = arith.constant 5.000000e-01 : f32
    %gt3A_251 = vector.broadcast %gt3A : f32 to vector<16x5xf32>
    %gt3A_252 = arith.cmpf ogt, %slice3A_250, %gt3A_251 : vector<16x5xf32>
    %gt3A_253 = arith.constant 5.000000e-01 : f32
    %gt3A_254 = vector.broadcast %gt3A_253 : f32 to vector<16x5xf32>
    %gt3A_255 = arith.cmpf ogt, %slice3A_246, %gt3A_254 : vector<16x5xf32>
    %and3A = arith.andi %gt3A_252, %gt3A_255 : vector<16x5xi1>
    %swap3A_256 = arith.constant 0 : index
    %swap3A_257 = arith.constant 0 : index
    %swap3A_258 = vector.load %arg22[%swap3A_256, %swap3A_257] : memref<16x5xi32, #tpu.memory_space<vmem>>, vector<16x5xi32>
    %swap3A_259 = arith.extui %and3A : vector<16x5xi1> to vector<16x5xi32>
    %swap3A_260 = arith.constant dense<0> : vector<16x5xi32>
    %swap3A_261 = arith.cmpi ne, %swap3A_258, %swap3A_260 : vector<16x5xi32>
    tpu.vector_store %arg22[%swap3A_256, %swap3A_257], %swap3A_259 {strides = array<i32>} : memref<16x5xi32, #tpu.memory_space<vmem>>, vector<16x5xi32>,
    %convert_element_type3A = arith.extui %and3A : vector<16x5xi1> to vector<16x5xi32>
    %convert_element_type3A_262 = arith.sitofp %convert_element_type3A : vector<16x5xi32> to vector<16x5xf32>
    %reduce_sum3A = arith.constant dense<0.000000e+00> : vector<16xf32>
    %reduce_sum3A_263 = vector.multi_reduction <add>, %convert_element_type3A_262, %reduce_sum3A [1] : vector<16x5xf32> to vector<16xf32>
    %broadcast_in_dim3A = vector.shape_cast %reduce_sum3A_263 : vector<16xf32> to vector<16x1xf32>
    %mul3A_264 = arith.mulf %concatenate3A, %convert_element_type3A_262 : vector<16x5xf32>
    %reduce_sum3A_265 = arith.constant dense<0.000000e+00> : vector<16xf32>
    %reduce_sum3A_266 = vector.multi_reduction <add>, %mul3A_264, %reduce_sum3A_265 [1] : vector<16x5xf32> to vector<16xf32>
    %broadcast_in_dim3A_267 = vector.shape_cast %reduce_sum3A_266 : vector<16xf32> to vector<16x1xf32>
    %gt3A_268 = arith.constant 0.000000e+00 : f32
    %gt3A_269 = vector.broadcast %gt3A_268 : f32 to vector<16x1xf32>
    %gt3A_270 = arith.cmpf ogt, %broadcast_in_dim3A, %gt3A_269 : vector<16x1xf32>
    %max3A_271 = arith.constant 1.000000e+00 : f32
    %max3A_272 = vector.broadcast %max3A_271 : f32 to vector<16x1xf32>
    %max3A_273 = arith.maximumf %broadcast_in_dim3A, %max3A_272 : vector<16x1xf32>
    %div3A_274 = arith.divf %broadcast_in_dim3A_267, %max3A_273 : vector<16x1xf32>
    %jit3A = arith.constant 5.000000e-01 : f32
    %broadcast_in_dim3A_275 = vector.broadcast %jit3A : f32 to vector<16x1xf32>
    %select_n3A = arith.select %gt3A_270, %div3A_274, %broadcast_in_dim3A_275 : vector<16x1xi1>, vector<16x1xf32>
    %sub3A_276 = arith.subf %get3A_4, %get3A_1 : vector<16x1xf32>
    %add3A_277 = arith.constant 9.99999993E-9 : f32
    %add3A_278 = vector.broadcast %add3A_277 : f32 to vector<16x1xf32>
    %add3A_279 = arith.addf %get3A_4, %add3A_278 : vector<16x1xf32>
    %div3A_280 = arith.divf %sub3A_276, %add3A_279 : vector<16x1xf32>
    %mul3A_281 = arith.constant 4.000000e-01 : f32
    %mul3A_282 = vector.broadcast %mul3A_281 : f32 to vector<16x1xf32>
    %mul3A_283 = arith.mulf %mul3A_282, %div3A_280 : vector<16x1xf32>
    %add3A_284 = arith.constant 1.500000e-01 : f32
    %add3A_285 = vector.broadcast %add3A_284 : f32 to vector<16x1xf32>
    %add3A_286 = arith.addf %mul3A_283, %add3A_285 : vector<16x1xf32>
    %mul3A_287 = arith.constant 3.000000e-01 : f32
    %mul3A_288 = vector.broadcast %mul3A_287 : f32 to vector<16x1xf32>
    %mul3A_289 = arith.mulf %mul3A_288, %select_n3A : vector<16x1xf32>
    %add3A_290 = arith.addf %add3A_286, %mul3A_289 : vector<16x1xf32>
    %jit3A_291 = arith.constant 0.000000e+00 : f32
    %jit3A_292 = arith.constant 1.000000e+00 : f32
    %max3A_293 = vector.broadcast %jit3A_291 : f32 to vector<16x1xf32>
    %max3A_294 = arith.maximumf %max3A_293, %add3A_290 : vector<16x1xf32>
    %min3A = vector.broadcast %jit3A_292 : f32 to vector<16x1xf32>
    %min3A_295 = arith.minimumf %min3A, %max3A_294 : vector<16x1xf32>
    %swap3A_296 = arith.constant 0 : index
    %swap3A_297 = arith.constant 0 : index
    %swap3A_298 = vector.load %arg23[%swap3A_296, %swap3A_297] : memref<16x1xf32, #tpu.memory_space<vmem>>, vector<16x1xf32>
    tpu.vector_store %arg23[%swap3A_296, %swap3A_297], %min3A_295 {strides = array<i32>} : memref<16x1xf32, #tpu.memory_space<vmem>>, vector<16x1xf32>,
    %swap3A_299 = arith.constant 0 : index
    %swap3A_300 = arith.constant 0 : index
    %swap3A_301 = vector.load %arg19[%swap3A_299, %swap3A_300] : memref<16x5xf32, #tpu.memory_space<vmem>>, vector<16x5xf32>
    tpu.vector_store %arg19[%swap3A_299, %swap3A_300], %slice3A_246 {strides = array<i32>} : memref<16x5xf32, #tpu.memory_space<vmem>>, vector<16x5xf32>,
    %get3A_302 = arith.constant 0 : index
    %get3A_303 = arith.constant 0 : index
    %get3A_304 = vector.load %arg13[%get3A_302, %get3A_303] : memref<16x16xi32, #tpu.memory_space<vmem>>, vector<16x16xi32>
    %slice3A_305 = vector.extract_strided_slice %get3A_304 {offsets = [0, 0], sizes = [16, 5], strides = [1, 1]} : vector<16x16xi32> to vector<16x5xi32>
    %swap3A_306 = arith.constant 0 : index
    %swap3A_307 = arith.constant 0 : index
    %swap3A_308 = vector.load %arg20[%swap3A_306, %swap3A_307] : memref<16x5xi32, #tpu.memory_space<vmem>>, vector<16x5xi32>
    tpu.vector_store %arg20[%swap3A_306, %swap3A_307], %slice3A_305 {strides = array<i32>} : memref<16x5xi32, #tpu.memory_space<vmem>>, vector<16x5xi32>,
    %get3A_309 = arith.constant 0 : index
    %get3A_310 = arith.constant 0 : index
    %get3A_311 = vector.load %arg15[%get3A_309, %get3A_310] : memref<16x16xf32, #tpu.memory_space<vmem>>, vector<16x16xf32>
    %slice3A_312 = vector.extract_strided_slice %get3A_311 {offsets = [0, 0], sizes = [16, 5], strides = [1, 1]} : vector<16x16xf32> to vector<16x5xf32>
    %swap3A_313 = arith.constant 0 : index
    %swap3A_314 = arith.constant 0 : index
    %swap3A_315 = vector.load %arg24[%swap3A_313, %swap3A_314] : memref<16x5xf32, #tpu.memory_space<vmem>>, vector<16x5xf32>
    tpu.vector_store %arg24[%swap3A_313, %swap3A_314], %slice3A_312 {strides = array<i32>} : memref<16x5xf32, #tpu.memory_space<vmem>>, vector<16x5xf32>,
    return
  }
}

</mosaic_0001>

<sc_bundles>
// kernel: kernel.4.cloned.1.call-start
scs
__scs_entry_jumppad:
0x0: {  	(pc) =	sbr.rel $0x88, $3  }
0x1: {  	(tag) =	ssettag $0x0;
	lr =	simm.s32 $0x1  }
0x2: {  	[smem:$0x3F91] =	sst lr;
	_ =	strace $0xD0000000  }
0x3: {  	_ = 	snop  }
0x4: {  	_ = 	snop  }
0x5: {  	_ = 	snop  }
0x6: {  	_ = 	snop  }
0x7: {  	_ = 	snop  }
__scs_overlays_trampoline_lowered:
0x8: {  	[smem:$0x3FA0] =	sst s0  }
0x9: {  	[smem:$0x3FA1] =	sst s1  }
0xa: {  	[smem:$0x3FA2] =	sst s2  }
0xb: {  	[smem:$0x3FA3] =	sst s3  }
0xc: {  	[smem:$0x3FA4] =	sst s4  }
0xd: {  	[smem:$0x3FA5] =	sst s5  }
0xe: {  	[smem:$0x3FA6] =	sst s6  }
0xf: {  	[smem:$0x3FA7] =	sst s7  }
0x10: {  	[smem:$0x3FA8] =	sst s8  }
0x11: {  	[smem:$0x3FA9] =	sst s9;
	s0 =	simm.s32 @!p0 $0x0  }
0x12: {  	s1 =	sld [smem:$0x3F8F];
	s0 =	simm.s32 @p0 $0x1  }
0x13: {  	[smem:$0x3FAA] =	sst s0;
	s0 =	simm.s32 @!p1 $0x0  }
0x14: {  	s2 =	sld [smem:$0x3F8E];
	s0 =	simm.s32 @p1 $0x1  }
0x15: {  	[smem:$0x3FAB] =	sst s0;
	s0 =	simm.s32 @!p2 $0x0  }
0x16: {  	s3 =	sld [smem:$0x3FDB];
	s0 =	simm.s32 @p2 $0x1  }
0x17: {  	s4 =	simm.s32 $0x1BF5;
	[smem:$0x3FAD] =	sst s0  }
0x18: {  	s0 =	sld [smem:$0x3F90];
	_ =	swait.ge [sflag:s4], $0x0  }
0x19: {  	s7 =	sld [smem:$0x3F91]  }
0x1a: {  	s8 =	sadd.s32 $0xFFFFE003, lr  }
0x1b: {  	s9 =	sadd.s32 $0xFFFFFEF7, lr;
	s5 =	simm.s32 $0xFFFFFFFF;
	p2 =	slt.u32 s8, $0xFFFFF086  }
0x1c: {  	p1 =	slt.u32 s9, $0xF7A;
	s5 =	simm.s32 @!p2 $0x0  }
0x1d: {  	s5 =	simm.s32 @p1 $0x1;
	p0 =	seq.s32 s7, s2  }
0x1e: {  	s7 =	smul.u32 @!p0 $0xF7A, s2;
	p2 =	seq.s32 @!p0 s5, $0x0  }
0x1f: {  	s9 =	smul.u32 $0xF7A, s1;
	s8 =	simm.s32 @!p0 $0x1BF5;
	p2 =	por !p2, p0  }
0x20: {  	[sflag:s8] =	ssyncset.s32 @!p0 $0xFFFFF086;
	s6 =	sadd.s32 @!p0 s3, s7;
	s7 =	simm.s32 @!p0 $0x108  }
0x21: {  	s3 =	sadd.s32 s3, s9;
	s6 =	sadd.s32 @!p0 $0x88, s6;
	s7 =	simm.s32 @p2 $0x1082  }
0x22: {  	[simem:s7], [sflag:s8] =	dma.local @!p0 [hbm:s6], $0xF7A  }
0x23: {  	s9 =	sor.u32 $0xD0000000, s2;
	s6 =	simm.s32 $0x108;
	_ =	swait.ge @!p0 [sflag:s8], $0x0  }
0x24: {  	s3 =	sadd.s32 $0x88, s3;
	s6 =	simm.s32 @!p1 $0x1082;
	[sflag:s4] =	ssyncset.s32 $0xFFFFF086  }
0x25: {  	[simem:s6], [sflag:s4] =	dma.local [hbm:s3], $0xF7A  }
0x26: {  	[smem:$0x3F91] =	sst s1;
	(tag) =	ssettag s2;
	_ =	strace s9  }
0x27: {  	s1 =	sld [smem:$0x3FA1]  }
0x28: {  	s2 =	sld [smem:$0x3FA2]  }
0x29: {  	s4 =	sld [smem:$0x3FA4]  }
0x2a: {  	p0 =	seq.s32 s5, $0x0;
	s5 =	sld [smem:$0x3FA5]  }
0x2b: {  	s6 =	sld [smem:$0x3FA6]  }
0x2c: {  	s7 =	sld [smem:$0x3FA7]  }
0x2d: {  	s3 =	simm.s32 $0x108;
	s8 =	sld [smem:$0x3FA8]  }
0x2e: {  	s3 =	simm.s32 @!p0 $0x1082;
	s9 =	sld [smem:$0x3FA9]  }
0x2f: {  	lr =	sadd.s32 s0, s3;
	s0 =	sld [smem:$0x3FA0]  }
0x30: {  	s3 =	sld [smem:$0x3FA3]  }
0x31: {  	[smem:$0x3FAC] =	sst s10  }
0x32: {  	s10 =	sld [smem:$0x3FAA];
	_ =	sdelay $0x3  }
0x33: {  	p0 =	seq.s32 s10, $0x1;
	s10 =	sld [smem:$0x3FAC];
	_ =	sdelay $0x3  }
0x34: {  	[smem:$0x3FAC] =	sst s10  }
0x35: {  	s10 =	sld [smem:$0x3FAB];
	_ =	sdelay $0x3  }
0x36: {  	p1 =	seq.s32 s10, $0x1;
	s10 =	sld [smem:$0x3FAC];
	_ =	sdelay $0x3  }
0x37: {  	[smem:$0x3FAC] =	sst s10  }
0x38: {  	s10 =	sld [smem:$0x3FAD]  }
0x39: {  	_ = 	snop;
	(pc) =	sbr.ind lr, $3  }
0x3a: {  	_ = 	snop  }
0x3b: {  	_ = 	snop  }
0x3c: {  	p2 =	seq.s32 s10, $0x1;
	s10 =	sld [smem:$0x3FAC]  }
0x3d: {  	_ =	shalt  }
0x3e: {  	_ =	shalt  }
0x3f: {  	_ =	shalt  }
0x40: {  	_ =	shalt  }
0x41: {  	_ =	shalt  }
0x42: {  	_ =	shalt  }
0x43: {  	_ =	shalt  }
0x44: {  	_ =	shalt  }
0x45: {  	_ =	shalt  }
0x46: {  	_ =	shalt  }
0x47: {  	_ =	shalt  }
0x48: {  	_ =	shalt  }
0x49: {  	_ =	shalt  }
0x4a: {  	_ =	shalt  }
0x4b: {  	_ =	shalt  }
0x4c: {  	_ =	shalt  }
0x4d: {  	_ =	shalt  }
0x4e: {  	_ =	shalt  }
0x4f: {  	_ =	shalt  }
0x50: {  	_ =	shalt  }
0x51: {  	_ =	shalt  }
0x52: {  	_ =	shalt  }
0x53: {  	_ =	shalt  }
0x54: {  	_ =	shalt  }
0x55: {  	_ =	shalt  }
0x56: {  	_ =	shalt  }
0x57: {  	_ =	shalt  }
0x58: {  	_ =	shalt  }
0x59: {  	_ =	shalt  }
0x5a: {  	_ =	shalt  }
0x5b: {  	_ =	shalt  }
0x5c: {  	_ =	shalt  }
0x5d: {  	_ =	shalt  }
0x5e: {  	_ =	shalt  }
0x5f: {  	_ =	shalt  }
0x60: {  	_ =	shalt  }
0x61: {  	_ =	shalt  }
0x62: {  	_ =	shalt  }
0x63: {  	_ =	shalt  }
0x64: {  	_ =	shalt  }
0x65: {  	_ =	shalt  }
0x66: {  	_ =	shalt  }
0x67: {  	_ =	shalt  }
0x68: {  	_ =	shalt  }
0x69: {  	_ =	shalt  }
0x6a: {  	_ =	shalt  }
0x6b: {  	_ =	shalt  }
0x6c: {  	_ =	shalt  }
0x6d: {  	_ =	shalt  }
0x6e: {  	_ =	shalt  }
0x6f: {  	_ =	shalt  }
0x70: {  	_ =	shalt  }
0x71: {  	_ =	shalt  }
0x72: {  	_ =	shalt  }
0x73: {  	_ =	shalt  }
0x74: {  	_ =	shalt  }
0x75: {  	_ =	shalt  }
0x76: {  	_ =	shalt  }
0x77: {  	_ =	shalt  }
0x78: {  	_ =	shalt  }
0x79: {  	_ =	shalt  }
0x7a: {  	_ =	shalt  }
0x7b: {  	_ =	shalt  }
0x7c: {  	_ =	shalt  }
0x7d: {  	_ =	shalt  }
0x7e: {  	_ =	shalt  }
0x7f: {  	_ =	shalt  }
0x80: {  	_ =	shalt  }
0x81: {  	_ =	shalt  }
0x82: {  	_ =	shalt  }
0x83: {  	_ =	shalt  }
0x84: {  	_ =	shalt  }
0x85: {  	_ =	shalt  }
0x86: {  	_ =	shalt  }
0x87: {  	_ =	shalt  }
.Lfunc_end0:
.L_simem_size_0:
called_computation_lowered:
.L_overlay_start_0:
0x88: {  	s2 =	sld [smem:$0x3FD9]  }
0x89: {  	s3 =	sld [smem:$0x3FFE];
	_ =	sdelay $0x1  }
0x8a: {  	s1 =	srdreg.scid  }
0x8b: {  	s0 =	sand.u32 $0x1, s1  }
0x8c: {  	s17 =	sshll.u32 s0, $0xA;
	s2 =	sadd.s32 s3, s2  }
0x8d: {  	s2 =	sadd.s32 s2, s17  }
0x8e: {  	[smem:$0x3FB8] =	sst s2  }
0x8f: {  	_ = 	snop  }
0x90: {  	s2 =	sld [smem:$0x3FC7]  }
0x91: {  	s18 =	sld [smem:$0x3FC6]  }
0x92: {  	s4 =	sld [smem:$0x3FC5]  }
0x93: {  	s5 =	sld [smem:$0x3FC4];
	(tm) =	ssettm $0x1  }
0x94: {  	s6 =	sld [smem:$0x3FFB];
	_ =	sdelay $0x3  }
0x95: {  	_ =	strace s6  }
0x96: {  	s6 =	sld [smem:$0x3FFC];
	_ =	sdelay $0x3  }
0x97: {  	_ =	strace s6  }
0x98: {  	s6 =	sld [smem:$0x3FFD];
	_ =	sdelay $0x3  }
0x99: {  	_ =	strace s6  }
0x9a: {  	_ =	strace $0x8FFFFFFF  }
0x9b: {  	s19 =	sld [smem:$0x3FDB];
	_ =	sdelay $0x1  }
0x9c: {  	s7 =	simm.s32 $_scs_section_size  }
0x9d: {  	s8 =	simm.s32 $_size__tile_overlayer_lowered;
	s9 =	simm.s32 $_tile_overlayer_lowered  }
0x9e: {  	s22 =	simm.s32 $0x1BFF;
	s21 =	sshll.u32 s9, $0x1;
	s6 =	sadd.s32 s7, s19  }
0x9f: {  	s10 =	simm.s32 $0x0;
	s20 =	sshll.u32 s8, $0x1;
	s8 =	sadd.s32 s21, s6  }
0xa0: {  	[timem:s10], [sflag:s22] =	dma.local [hbm:s8], s20  }
0xa1: {  	_ =	swait.ge [sflag:s22], s20  }
0xa2: {  	s7 =	ssub.s32 $0x0, s20;
	[sflag:s22] =	ssyncset.done $0x0  }
0xa3: {  	[sflag:s22] =	ssyncadd.s32 s7;
	_ =	sdelay $0x1  }
0xa4: {  	s23 =	simm.s32 $0x1B8B  }
0xa5: {  	_ =	swait.ge [sflag:s23], $0x1  }
0xa6: {  	[sflag:s23] =	ssyncset.done $0x0  }
0xa7: {  	s25 =	simm.s32 $0x1B8E;
	s24 =	sld [smem:$0x3FFE];
	[sflag:s23] =	ssyncadd.s32 $0xFFFFFFFF  }
0xa8: {  	s26 =	simm.s32 $execute0_lowered;
	[smem:$0x3FD2] =	sst s25  }
0xa9: {  	s8 =	sshll.u32 s26, $0x1;
	_ =	strace $0x80000046;
	[dreg:$0x1] =	wrdreg $0xFFFFFFFF  }
0xaa: {  	s28 =	simm.s32 $_size_execute0_lowered;
	s6 =	sadd.s32 s6, s8;
	[dreg:$0x0] =	wrdreg $0x0  }
0xab: {  	s8 =	sshll.u32 s28, $0x1;
	[dreg:$0x2] =	wrdreg s6  }
0xac: {  	[dreg:$0x3] =	wrdreg s8  }
0xad: {  	[dreg:$0x4] =	wrdreg $0xC0  }
0xae: {  	_ =	task [dreg:s10], $0x5FFFF  }
0xaf: {  	[dreg:$0x1] =	wrdreg $0xFFFFFFFF  }
0xb0: {  	[dreg:$0x0] =	wrdreg $0x60  }
0xb1: {  	[dreg:$0x2] =	wrdreg s2  }
0xb2: {  	[dreg:$0x3] =	wrdreg s4  }
0xb3: {  	[dreg:$0x4] =	wrdreg s5  }
0xb4: {  	[dreg:$0x5] =	wrdreg s18  }
0xb5: {  	[dreg:$0x6] =	wrdreg s24  }
0xb6: {  	[dreg:$0x7] =	wrdreg $0x9  }
0xb7: {  	_ =	task.clear_ibuf [dreg:s10], $0x8FFFF;
	_ =	strace $0x90000046  }
0xb8: {  	s29 =	simm.s32 $0x9;
	_ =	strace $0x80000048  }
0xb9: {  	_ =	swait.ge [sflag:s29], $0x1  }
0xba: {  	[sflag:s29] =	ssyncadd.s32 $0xFFFFFFFF  }
0xbb: {  	_ =	strace $0x90000048  }
0xbc: {  	_ =	sfence  }
0xbd: {  	s30 =	sld [smem:$0x0];
	_ =	sdelay $0x2  }
0xbe: {  	s31 =	sshll.u32 s1, $0xD;
	s1 =	sshrl.u32 s1, $0x2  }
0xbf: {  	s3 =	sand.u32 $0x4000, s31;
	s1 =	sadd.s32 s1, s30  }
0xc0: {  	s0 =	sor.u32 s3, s0;
	s1 =	sshll.u32 s1, $0x11  }
0xc1: {  	s0 =	sor.u32 s1, s0  }
0xc2: {  	s0 =	sadd.s32 $0x8F2B, s0  }
0xc3: {  	[sflag:s0] =	ssyncadd.remote.s32 $0x1  }
0xc4: {  	_ =	sfence.sel $0xFFFF  }
0xc5: {  	[dreg:$0x0] =	wrdreg $0xFFFFFFFF;
	(pc) =	sbr.abs _section_cstart, $3  }
0xc6: {  	[dreg:$0x1] =	wrdreg $0xFFFFFFFF  }
0xc7: {  	_ =	task.clear_ibuf [dreg:s10], $0x2FFFF;
	_ =	strace $0x9FFFFFFF  }
0xc8: {  	(tm) =	ssettm $0x7FFFFFFF  }
0xc9: {  	_ =	shalt  }
tec
execute0_lowered:
.L_overlay_start_1:
0x0: {  	(tag) =	ssettag $0x1  }
0x1: {  	s14 =	rddreg [dreg:$0x0];
	s1 =	stileid.u32  }
0x2: {  	s4 =	rddreg [dreg:$0x1];
	p0 =	sgt.u32 s1, $0x7  }
.Ltmp0:
0x3: {  	s5 =	rddreg [dreg:$0x2];
	(pc) =	sbr.rel @p0 .LBB2_3-.Ltmp0, $4  }
0x4: {  	s2 =	rddreg [dreg:$0x3]  }
0x5: {  	s6 =	rddreg [dreg:$0x4];
	s3 =	simm.s32 $0x0  }
0x6: {  	[smem:$0x7FF] =	sst s3  }
0x7: {  	s0 =	rddreg [dreg:$0x5];
	_ =	strace $0x80000047  }
0x8: {  	s7 =	srdreg.scid;
	s24 =	sshll.u32 s1, $0x1;
	v0 =	vimm.s32 $0xFEDCBA98;
	v2 =	vimm.s32 $0x76543210;
	v4 =	vimm.s32 $0x32107654  }
0x9: {  	s10 =	sshrl.u32 s1, $0x2;
	v5 =	vimm.s32 $0xDCFE98BA;
	v6 =	vimm.s32 $0x54761032;
	s18 =	simm.s32 $0x2;
	s19 =	simm.s32 $0x800  }
0xa: {  	v7 =	vimm.s32 $0xEFCDAB89;
	s20 =	simm.s32 $0x1000;
	s21 =	simm.s32 $0x3880;
	s22 =	simm.s32 $0x3900  }
0xb: {  	v8 =	vimm.s32 $0x67452301;
	vm0 =	vmmov $0xffff;
	vm1 =	vmmov $0x1;
	s23 =	simm.s32 $0x1800;
	s28 =	simm.s32 $0x1;
	s29 =	simm.s32 $0x3980  }
0xc: {  	vm2 =	vcmask $0x314;
	vm3 =	vcmask $0x714;
	vm4 =	vcmask $0xB14;
	s30 =	simm.s32 $0x3A00;
	s31 =	simm.s32 $0x3A80;
	s9 =	sand.u32 $0x1, s7  }
0xd: {  	vm5 =	vcmask $0xF14;
	vm6 =	vmmov $0x1f;
	v1 =	vunpack.c.l.s4.s8 v0;
	s12 =	sshll.u32 s10, $0xA;
	s10 =	sshll.u32 s10, $0xE;
	s7 =	sor.u32 s9, s24  }
0xe: {  	v2 =	vunpack.c.l.s4.s8 v2;
	v4 =	vunpack.c.l.s4.s8 v4;
	v5 =	vunpack.c.l.s4.s8 v5;
	s16 =	ssub.s32 $0x2, s9;
	s24 =	simm.s32 $0x2080;
	s8 =	sshll.u32 s7, $0x7  }
0xf: {  	v6 =	vunpack.c.l.s4.s8 v6;
	v7 =	vunpack.c.l.s4.s8 v7;
	v8 =	vunpack.c.l.s4.s8 v8;
	s11 =	sshll.u32 s7, $0xB;
	s7 =	smul.u32 $0x300, s7;
	s17 =	sshrl.u32 s16, $0x1  }
0x10: {  	v3 =	vunpack.c.0.s8.s32 v1;
	v1 =	vimm.s32 $0xBA98FEDC;
	v4 =	vunpack.c.0.s8.s32 v4;
	s8 =	sand.u32 $0x380, s8;
	s16 =	ssub.s32 s16, s17;
	s17 =	simm.s32 $0x400  }
0x11: {  	v5 =	vunpack.c.0.s8.s32 v5;
	v6 =	vunpack.c.0.s8.s32 v6;
	v1 =	vunpack.c.l.s4.s8 v1;
	s25 =	sor.u32 s12, s8;
	s8 =	sor.u32 s10, s8;
	s13 =	sadd.s32 s7, s6  }
0x12: {  	v7 =	vunpack.c.0.s8.s32 v7;
	v8 =	vunpack.c.0.s8.s32 v8;
	v0 =	vmov s11;
	s7 =	sadd.s32 $0x200, s2;
	s11 =	sshrl.u32 s25, $0x3;
	s15 =	sshrl.u32 s8, $0x3  }
0x13: {  	v9 =	vunpack.c.0.s8.s32 v2;
	v2 =	vlaneseq.u32;
	v1 =	vunpack.c.0.s8.s32 v1;
	s13 =	sadd.s32 $0x2200, s13;
	s25 =	simm.s32 $0x2880;
	s26 =	sadd.s32 s11, s6  }
0x14: {  	v3 =	vand.u32 $0xF, v3;
	v5 =	vcombine.low v6, v5;
	v6 =	vcombine.low v8, v7;
	s4 =	sadd.s32 s4, s15;
	s5 =	sadd.s32 s5, s15;
	s6 =	sadd.s32 $0x100, s2  }
0x15: {  	v8 =	vshrl.u32 v2, $0x3;
	v7 =	vand.u32 $0x7, v2;
	s14 =	sadd.s32 s14, s15;
	s15 =	smax.u32 s16, $0x1;
	s16 =	simm.s32 $0x80;
	v4 =	vcombine.low v4, v1  }
0x16: {  	v3 =	vcombine.low v3, v9;
	v8 =	vmul.u32 $0x8, v8;
	v5 =	vand.u32 $0xF, v5;
	s8 =	sadd.s32 $0x5200, s26;
	s9 =	sadd.s32 $0x5400, s26;
	s10 =	sadd.s32 $0x5600, s26  }
0x17: {  	v6 =	vand.u32 $0xF, v6;
	s11 =	sadd.s32 $0x5800, s26;
	s12 =	sadd.s32 $0x5A00, s26;
	v1 =	vimm.f32 $-1.000000000e+00;
	s26 =	simm.s32 $0x3080;
	v4 =	vand.u32 $0xF, v4  }
.LBB2_2:
0x18: {  	[tilespmem:s3], [sflag:$0x2] =	stream.strided.gather [hbm4b:s14+s16], $0x800, s17, s16, $0x38;
	[tilespmem:$0x3B00] =	vst v63  }
0x19: {  	_ =	swait.ge [sflag:s18], $0x800  }
0x1a: {  	[sflag:s18] =	ssyncset.done $0x0  }
0x1b: {  	[sflag:s18] =	ssyncadd.s32 $0xFFFFF800  }
0x1c: {  	[tilespmem:s19], [sflag:$0x2] =	stream.strided.gather [hbm4b:s4+s16], $0x800, s17, s16, $0x38;
	[tilespmem:$0x3B00] =	vst v63  }
0x1d: {  	_ =	swait.ge [sflag:s18], $0x800  }
0x1e: {  	[sflag:s18] =	ssyncset.done $0x0  }
0x1f: {  	[sflag:s18] =	ssyncadd.s32 $0xFFFFF800  }
0x20: {  	[tilespmem:s20], [sflag:$0x2] =	stream.strided.gather [hbm4b:s5+s16], $0x800, s17, s16, $0x38;
	[tilespmem:$0x3B00] =	vst v63  }
0x21: {  	_ =	swait.ge [sflag:s18], $0x800  }
0x22: {  	[sflag:s18] =	ssyncset.done $0x0  }
0x23: {  	[sflag:s18] =	ssyncadd.s32 $0xFFFFF800  }
0x24: {  	v9 =	vld [tilespmem:$0x800]  }
0x25: {  	v10 =	vld [tilespmem:$0x0];
	_ =	sdelay $0x3  }
0x26: {  	vm7 =	vgt.f32 v9, $5.000000000e-01  }
0x27: {  	v9 =	vnsel vm7, $0x0, v10  }
0x28: {  	vm7 =	vgt.f32 v9, $-1.000000000e+00  }
0x29: {  	[tilespmem:$0x1800] =	vst v9;
	v9 =	vnsel vm7, $0xBF800000, v9  }
0x2a: {  	v10 =	vnsel vm7, $0x0, v2;
	[tilespmem:$0x3880] =	vst v9  }
0x2b: {  	[tilespmem:$0x3900] =	vst v10  }
0x2c: {  	v11 =	vld.idx.msk [tilespmem:v3+s21+$0x0], $0xffff  }
0x2d: {  	v12 =	vld.idx.msk [tilespmem:v3+s22+$0x0], $0xffff;
	_ =	sdelay $0x4  }
0x2e: {  	vm7 =	veq.f32 v11, v9;
	vm8 =	vlt.s32 v12, v10  }
0x2f: {  	vm9 =	vgt.f32 v11, v9;
	vm7 =	vmand vm7, vm8  }
0x30: {  	vm7 =	vmor vm9, vm7  }
0x31: {  	v9 =	vsel vm7, v11, v9  }
0x32: {  	v10 =	vsel vm7, v12, v10;
	[tilespmem:$0x3880] =	vst v9  }
0x33: {  	[tilespmem:$0x3900] =	vst v10  }
0x34: {  	v11 =	vld.idx.msk [tilespmem:v4+s21+$0x0], $0xffff  }
0x35: {  	v28 =	vld.idx.msk [tilespmem:v4+s22+$0x0], $0xffff;
	_ =	sdelay $0x4  }
0x36: {  	vm7 =	veq.f32 v11, v9;
	vm8 =	vlt.s32 v28, v10  }
0x37: {  	vm12 =	vgt.f32 v11, v9;
	vm7 =	vmand vm7, vm8  }
0x38: {  	vm7 =	vmor vm12, vm7  }
0x39: {  	v9 =	vsel vm7, v11, v9  }
0x3a: {  	v10 =	vsel vm7, v28, v10;
	[tilespmem:$0x3880] =	vst v9  }
0x3b: {  	[tilespmem:$0x3900] =	vst v10  }
0x3c: {  	v11 =	vld.idx.msk [tilespmem:v5+s21+$0x0], $0xffff  }
0x3d: {  	v29 =	vld.idx.msk [tilespmem:v5+s22+$0x0], $0xffff;
	_ =	sdelay $0x4  }
0x3e: {  	vm7 =	veq.f32 v11, v9;
	vm8 =	vlt.s32 v29, v10  }
0x3f: {  	vm13 =	vgt.f32 v11, v9;
	vm7 =	vmand vm7, vm8  }
0x40: {  	vm7 =	vmor vm13, vm7  }
0x41: {  	v9 =	vsel vm7, v11, v9  }
0x42: {  	v11 =	vsel vm7, v29, v10;
	[tilespmem:$0x3880] =	vst v9  }
0x43: {  	[tilespmem:$0x3900] =	vst v11  }
0x44: {  	v10 =	vld.idx.msk [tilespmem:v6+s21+$0x0], $0xffff  }
0x45: {  	v30 =	vld.idx.msk [tilespmem:v6+s22+$0x0], $0xffff;
	_ =	sdelay $0x4  }
0x46: {  	vm7 =	veq.f32 v10, v9;
	vm8 =	vlt.s32 v30, v11  }
0x47: {  	vm14 =	vgt.f32 v10, v9;
	vm7 =	vmand vm7, vm8  }
0x48: {  	vm7 =	vmor vm14, vm7  }
0x49: {  	v11 =	vsel vm7, v30, v11;
	_ =	sdelay $0x4  }
0x4a: {  	[tilespmem:v11+s23+$0x0] =	vst.idx.msk $0x1, v1  }
0x4b: {  	v31 =	vld [tilespmem:$0x1800];
	_ =	sdelay $0x4  }
0x4c: {  	vm8 =	vgt.f32 v31, $-1.000000000e+00  }
0x4d: {  	v12 =	vnsel vm8, $0xBF800000, v31  }
0x4e: {  	v13 =	vnsel vm8, $0x0, v2;
	[tilespmem:$0x3880] =	vst v12  }
0x4f: {  	[tilespmem:$0x3900] =	vst v13  }
0x50: {  	v14 =	vld.idx.msk [tilespmem:v3+s21+$0x0], $0xffff  }
0x51: {  	v15 =	vld.idx.msk [tilespmem:v3+s22+$0x0], $0xffff;
	_ =	sdelay $0x4  }
0x52: {  	vm8 =	veq.f32 v14, v12;
	vm15 =	vlt.s32 v15, v13  }
0x53: {  	vm10 =	vgt.f32 v14, v12;
	vm8 =	vmand vm8, vm15  }
0x54: {  	vm8 =	vmor vm10, vm8  }
0x55: {  	v12 =	vsel vm8, v14, v12  }
0x56: {  	v13 =	vsel vm8, v15, v13;
	[tilespmem:$0x3880] =	vst v12  }
0x57: {  	[tilespmem:$0x3900] =	vst v13  }
0x58: {  	v32 =	vld.idx.msk [tilespmem:v4+s21+$0x0], $0xffff  }
0x59: {  	v33 =	vld.idx.msk [tilespmem:v4+s22+$0x0], $0xffff;
	_ =	sdelay $0x4  }
0x5a: {  	vm8 =	veq.f32 v32, v12;
	vm12 =	vlt.s32 v33, v13  }
0x5b: {  	vm13 =	vgt.f32 v32, v12;
	vm8 =	vmand vm8, vm12  }
0x5c: {  	vm8 =	vmor vm13, vm8  }
0x5d: {  	v12 =	vsel vm8, v32, v12  }
0x5e: {  	v13 =	vsel vm8, v33, v13;
	[tilespmem:$0x3880] =	vst v12  }
0x5f: {  	[tilespmem:$0x3900] =	vst v13  }
0x60: {  	v34 =	vld.idx.msk [tilespmem:v5+s21+$0x0], $0xffff  }
0x61: {  	v35 =	vld.idx.msk [tilespmem:v5+s22+$0x0], $0xffff;
	_ =	sdelay $0x4  }
0x62: {  	vm8 =	veq.f32 v34, v12;
	vm14 =	vlt.s32 v35, v13  }
0x63: {  	vm15 =	vgt.f32 v34, v12;
	vm8 =	vmand vm8, vm14  }
0x64: {  	vm8 =	vmor vm15, vm8  }
0x65: {  	v12 =	vsel vm8, v34, v12  }
0x66: {  	v36 =	vsel vm8, v35, v13;
	[tilespmem:$0x3880] =	vst v12  }
0x67: {  	[tilespmem:$0x3900] =	vst v36  }
0x68: {  	v37 =	vld.idx.msk [tilespmem:v6+s21+$0x0], $0xffff  }
0x69: {  	v38 =	vld.idx.msk [tilespmem:v6+s22+$0x0], $0xffff;
	_ =	sdelay $0x4  }
0x6a: {  	vm8 =	veq.f32 v37, v12;
	vm12 =	vlt.s32 v38, v36  }
0x6b: {  	vm13 =	vgt.f32 v37, v12;
	vm8 =	vmand vm8, vm12  }
0x6c: {  	vm8 =	vmor vm13, vm8  }
0x6d: {  	v14 =	vsel vm8, v38, v36;
	_ =	sdelay $0x4  }
0x6e: {  	[tilespmem:v14+s23+$0x0] =	vst.idx.msk $0x1, v1  }
0x6f: {  	v39 =	vld [tilespmem:$0x1800];
	_ =	sdelay $0x4  }
0x70: {  	vm14 =	vgt.f32 v39, $-1.000000000e+00  }
0x71: {  	v15 =	vnsel vm14, $0xBF800000, v39  }
0x72: {  	v16 =	vnsel vm14, $0x0, v2;
	[tilespmem:$0x3880] =	vst v15  }
0x73: {  	[tilespmem:$0x3900] =	vst v16  }
0x74: {  	v17 =	vld.idx.msk [tilespmem:v3+s21+$0x0], $0xffff  }
0x75: {  	v18 =	vld.idx.msk [tilespmem:v3+s22+$0x0], $0xffff;
	_ =	sdelay $0x4  }
0x76: {  	vm15 =	veq.f32 v17, v15;
	vm12 =	vlt.s32 v18, v16  }
0x77: {  	vm11 =	vgt.f32 v17, v15;
	vm9 =	vmand vm15, vm12  }
0x78: {  	vm9 =	vmor vm11, vm9  }
0x79: {  	v15 =	vsel vm9, v17, v15  }
0x7a: {  	v16 =	vsel vm9, v18, v16;
	[tilespmem:$0x3880] =	vst v15  }
0x7b: {  	[tilespmem:$0x3900] =	vst v16  }
0x7c: {  	v40 =	vld.idx.msk [tilespmem:v4+s21+$0x0], $0xffff  }
0x7d: {  	v41 =	vld.idx.msk [tilespmem:v4+s22+$0x0], $0xffff;
	_ =	sdelay $0x4  }
0x7e: {  	vm13 =	veq.f32 v40, v15;
	vm14 =	vlt.s32 v41, v16  }
0x7f: {  	vm15 =	vgt.f32 v40, v15;
	vm9 =	vmand vm13, vm14  }
0x80: {  	vm9 =	vmor vm15, vm9  }
0x81: {  	v15 =	vsel vm9, v40, v15  }
0x82: {  	v16 =	vsel vm9, v41, v16;
	[tilespmem:$0x3880] =	vst v15  }
0x83: {  	[tilespmem:$0x3900] =	vst v16  }
0x84: {  	v42 =	vld.idx.msk [tilespmem:v5+s21+$0x0], $0xffff  }
0x85: {  	v43 =	vld.idx.msk [tilespmem:v5+s22+$0x0], $0xffff;
	_ =	sdelay $0x4  }
0x86: {  	vm12 =	veq.f32 v42, v15;
	vm13 =	vlt.s32 v43, v16  }
0x87: {  	vm14 =	vgt.f32 v42, v15;
	vm9 =	vmand vm12, vm13  }
0x88: {  	vm9 =	vmor vm14, vm9  }
0x89: {  	v15 =	vsel vm9, v42, v15  }
0x8a: {  	v16 =	vsel vm9, v43, v16;
	[tilespmem:$0x3880] =	vst v15  }
0x8b: {  	[tilespmem:$0x3900] =	vst v16  }
0x8c: {  	v44 =	vld.idx.msk [tilespmem:v6+s21+$0x0], $0xffff  }
0x8d: {  	v45 =	vld.idx.msk [tilespmem:v6+s22+$0x0], $0xffff;
	_ =	sdelay $0x4  }
0x8e: {  	vm15 =	veq.f32 v44, v15;
	vm12 =	vlt.s32 v45, v16  }
0x8f: {  	vm13 =	vgt.f32 v44, v15;
	vm9 =	vmand vm15, vm12  }
0x90: {  	vm9 =	vmor vm13, vm9  }
0x91: {  	v16 =	vsel vm9, v45, v16;
	_ =	sdelay $0x4  }
0x92: {  	[tilespmem:v16+s23+$0x0] =	vst.idx.msk $0x1, v1  }
0x93: {  	v46 =	vld [tilespmem:$0x1800];
	_ =	sdelay $0x4  }
0x94: {  	vm14 =	vgt.f32 v46, $-1.000000000e+00  }
0x95: {  	v18 =	vnsel vm14, $0xBF800000, v46  }
0x96: {  	v19 =	vnsel vm14, $0x0, v2;
	[tilespmem:$0x3880] =	vst v18  }
0x97: {  	[tilespmem:$0x3900] =	vst v19  }
0x98: {  	v20 =	vld.idx.msk [tilespmem:v3+s21+$0x0], $0xffff  }
0x99: {  	v21 =	vld.idx.msk [tilespmem:v3+s22+$0x0], $0xffff;
	_ =	sdelay $0x4  }
0x9a: {  	vm10 =	veq.f32 v20, v18;
	vm11 =	vlt.s32 v21, v19  }
0x9b: {  	vm12 =	vgt.f32 v20, v18;
	vm10 =	vmand vm10, vm11  }
0x9c: {  	vm10 =	vmor vm12, vm10  }
0x9d: {  	v18 =	vsel vm10, v20, v18  }
0x9e: {  	v19 =	vsel vm10, v21, v19;
	[tilespmem:$0x3880] =	vst v18  }
0x9f: {  	[tilespmem:$0x3900] =	vst v19  }
0xa0: {  	v47 =	vld.idx.msk [tilespmem:v4+s21+$0x0], $0xffff  }
0xa1: {  	v48 =	vld.idx.msk [tilespmem:v4+s22+$0x0], $0xffff;
	_ =	sdelay $0x4  }
0xa2: {  	vm10 =	veq.f32 v47, v18;
	vm11 =	vlt.s32 v48, v19  }
0xa3: {  	vm12 =	vgt.f32 v47, v18;
	vm10 =	vmand vm10, vm11  }
0xa4: {  	vm10 =	vmor vm12, vm10  }
0xa5: {  	v18 =	vsel vm10, v47, v18  }
0xa6: {  	v19 =	vsel vm10, v48, v19;
	[tilespmem:$0x3880] =	vst v18  }
0xa7: {  	[tilespmem:$0x3900] =	vst v19  }
0xa8: {  	v49 =	vld.idx.msk [tilespmem:v5+s21+$0x0], $0xffff  }
0xa9: {  	v50 =	vld.idx.msk [tilespmem:v5+s22+$0x0], $0xffff;
	_ =	sdelay $0x4  }
0xaa: {  	vm10 =	veq.f32 v49, v18;
	vm11 =	vlt.s32 v50, v19  }
0xab: {  	vm12 =	vgt.f32 v49, v18;
	vm10 =	vmand vm10, vm11  }
0xac: {  	vm10 =	vmor vm12, vm10  }
0xad: {  	v18 =	vsel vm10, v49, v18  }
0xae: {  	v19 =	vsel vm10, v50, v19;
	[tilespmem:$0x3880] =	vst v18  }
0xaf: {  	[tilespmem:$0x3900] =	vst v19  }
0xb0: {  	v51 =	vld.idx.msk [tilespmem:v6+s21+$0x0], $0xffff  }
0xb1: {  	v52 =	vld.idx.msk [tilespmem:v6+s22+$0x0], $0xffff;
	_ =	sdelay $0x4  }
0xb2: {  	vm10 =	veq.f32 v51, v18;
	vm11 =	vlt.s32 v52, v19  }
0xb3: {  	vm12 =	vgt.f32 v51, v18;
	vm10 =	vmand vm10, vm11  }
0xb4: {  	vm10 =	vmor vm12, vm10  }
0xb5: {  	v19 =	vsel vm10, v52, v19;
	_ =	sdelay $0x4  }
0xb6: {  	[tilespmem:v19+s23+$0x0] =	vst.idx.msk $0x1, v1  }
0xb7: {  	v53 =	vld [tilespmem:$0x1800];
	_ =	sdelay $0x4  }
0xb8: {  	vm15 =	vgt.f32 v53, $-1.000000000e+00  }
0xb9: {  	v21 =	vnsel vm15, $0xBF800000, v53  }
0xba: {  	v22 =	vnsel vm15, $0x0, v2;
	[tilespmem:$0x3880] =	vst v21  }
0xbb: {  	[tilespmem:$0x3900] =	vst v22  }
0xbc: {  	v23 =	vld.idx.msk [tilespmem:v3+s21+$0x0], $0xffff  }
0xbd: {  	v24 =	vld.idx.msk [tilespmem:v3+s22+$0x0], $0xffff;
	_ =	sdelay $0x4  }
0xbe: {  	vm11 =	veq.f32 v23, v21;
	vm12 =	vlt.s32 v24, v22  }
0xbf: {  	vm11 =	vmand vm11, vm12;
	vm12 =	vgt.f32 v23, v21  }
0xc0: {  	vm11 =	vmor vm12, vm11  }
0xc1: {  	v21 =	vsel vm11, v23, v21  }
0xc2: {  	v22 =	vsel vm11, v24, v22;
	[tilespmem:$0x3880] =	vst v21  }
0xc3: {  	[tilespmem:$0x3900] =	vst v22  }
0xc4: {  	v54 =	vld.idx.msk [tilespmem:v4+s21+$0x0], $0xffff  }
0xc5: {  	v55 =	vld.idx.msk [tilespmem:v4+s22+$0x0], $0xffff;
	_ =	sdelay $0x4  }
0xc6: {  	vm11 =	veq.f32 v54, v21;
	vm12 =	vlt.s32 v55, v22  }
0xc7: {  	vm11 =	vmand vm11, vm12;
	vm12 =	vgt.f32 v54, v21  }
0xc8: {  	vm11 =	vmor vm12, vm11  }
0xc9: {  	v21 =	vsel vm11, v54, v21  }
0xca: {  	v22 =	vsel vm11, v55, v22;
	[tilespmem:$0x3880] =	vst v21  }
0xcb: {  	[tilespmem:$0x3900] =	vst v22  }
0xcc: {  	v56 =	vld.idx.msk [tilespmem:v5+s21+$0x0], $0xffff  }
0xcd: {  	v57 =	vld.idx.msk [tilespmem:v5+s22+$0x0], $0xffff;
	_ =	sdelay $0x4  }
0xce: {  	vm11 =	veq.f32 v56, v21;
	vm12 =	vlt.s32 v57, v22  }
0xcf: {  	vm11 =	vmand vm11, vm12;
	vm12 =	vgt.f32 v56, v21  }
0xd0: {  	vm11 =	vmor vm12, vm11  }
0xd1: {  	v21 =	vsel vm11, v56, v21  }
0xd2: {  	v22 =	vsel vm11, v57, v22;
	[tilespmem:$0x3880] =	vst v21  }
0xd3: {  	[tilespmem:$0x3900] =	vst v22  }
0xd4: {  	v58 =	vld.idx.msk [tilespmem:v6+s21+$0x0], $0xffff  }
0xd5: {  	v59 =	vld.idx.msk [tilespmem:v6+s22+$0x0], $0xffff;
	_ =	sdelay $0x4  }
0xd6: {  	vm11 =	veq.f32 v58, v21;
	vm12 =	vlt.s32 v59, v22  }
0xd7: {  	v11 =	vnsel vm1, $0x0, v11;
	vm11 =	vmand vm11, vm12;
	vm12 =	vgt.f32 v58, v21  }
0xd8: {  	v11 =	vsel vm2, v11, v14;
	vm11 =	vmor vm12, vm11  }
0xd9: {  	v9 =	vsel vm7, v10, v9;
	v10 =	vsel vm3, v11, v16;
	v11 =	vsel vm11, v59, v22  }
0xda: {  	v9 =	vnsel vm1, $0x0, v9;
	v12 =	vsel vm8, v37, v12;
	v10 =	vsel vm4, v10, v19  }
0xdb: {  	v9 =	vsel vm2, v9, v12;
	v60 =	vsel vm9, v44, v15;
	v10 =	vsel vm5, v10, v11  }
0xdc: {  	v9 =	vsel vm3, v9, v60;
	v61 =	vsel vm10, v51, v18;
	v62 =	vnsel vm6, $0x0, v10  }
0xdd: {  	v9 =	vsel vm4, v9, v61;
	v63 =	vsel vm11, v58, v21  }
0xde: {  	v9 =	vsel vm5, v9, v63;
	[tilespmem:v11+s23+$0x0] =	vst.idx.msk $0x1, v1  }
0xdf: {  	[tilespmem:$0x3880] =	vst v9  }
0xe0: {  	[tilespmem:$0x3900] =	vst v10  }
0xe1: {  	v9 =	vld.idx.msk [tilespmem:v62+s3+$0x0], $0xffff;
	_ =	sdelay $0x4  }
0xe2: {  	[tilespmem:$0x3980] =	vst v9  }
0xe3: {  	v9 =	vld.idx.msk [tilespmem:v62+s20+$0x0], $0xffff;
	_ =	sdelay $0x4  }
0xe4: {  	v10 =	vadd.s32 v0, v62;
	[tilespmem:$0x3A00] =	vst v9  }
0xe5: {  	v9 =	vld.idx.msk [tilespmem:v62+s19+$0x0], $0xffff;
	[tilespmem:$0x2000] =	vst v10  }
0xe6: {  	v10 =	vld.msk [tilespmem:$0x2000], $0xff;
	_ =	sdelay $0x4  }
0xe7: {  	v11 =	vshrl.u32 v10, $0x3  }
0xe8: {  	v11 =	vmul.u32 $0x30, v11  }
0xe9: {  	v10 =	vand.u32 $0x7, v10  }
0xea: {  	v10 =	vor.u32 v10, v11  }
0xeb: {  	v10 =	vperm.xlane v10, v7;
	_ =	sdelay $0x1  }
0xec: {  	v10 =	vadd.s32 v8, v10;
	_ =	sdelay $0x3  }
0xed: {  	[tilespmem:$0x3A80] =	vst v9  }
0xee: {  	[tilespmem:s24], [sflag:$0x1] =	stream.indirect_vreg.gather [hbm4b:s2+s3], $0x80, v10, vm0, $0xb8;
	[tilespmem:$0x3B00] =	vst v63  }
0xef: {  	_ = 	snop  }
0xf0: {  	[tilespmem:s25], [sflag:$0x1] =	stream.indirect_vreg.gather [hbm4b:s6+s3], $0x80, v10, vm0, $0xb8;
	[tilespmem:$0x3B00] =	vst v63  }
0xf1: {  	_ = 	snop  }
0xf2: {  	[tilespmem:s26], [sflag:$0x1] =	stream.indirect_vreg.gather [hbm4b:s7+s3], $0x80, v10, vm0, $0xb8;
	[tilespmem:$0x3B00] =	vst v63  }
0xf3: {  	_ =	swait.ge [sflag:s28], $0x1800  }
0xf4: {  	[sflag:s28] =	ssyncset.done $0x0  }
0xf5: {  	[sflag:s28] =	ssyncadd.s32 $0xFFFFE800  }
0xf6: {  	[hbm4b:s8+s3] =	stream.linear.scatter [tilespmem:s21], [sflag:$0x2], $0x80, $0x38;
	[tilespmem:$0x3B00] =	vst v63  }
0xf7: {  	_ =	swait.ge [sflag:s18], $0x80  }
0xf8: {  	[sflag:s18] =	ssyncset.done $0x0  }
0xf9: {  	[sflag:s18] =	ssyncadd.s32 $0xFFFFFF80  }
0xfa: {  	[hbm4b:s9+s3] =	stream.linear.scatter [tilespmem:s22], [sflag:$0x2], $0x80, $0x38;
	[tilespmem:$0x3B00] =	vst v63  }
0xfb: {  	_ =	swait.ge [sflag:s18], $0x80  }
0xfc: {  	[sflag:s18] =	ssyncset.done $0x0  }
0xfd: {  	[sflag:s18] =	ssyncadd.s32 $0xFFFFFF80  }
0xfe: {  	[hbm4b:s10+s3] =	stream.linear.scatter [tilespmem:s29], [sflag:$0x2], $0x80, $0x38;
	[tilespmem:$0x3B00] =	vst v63  }
0xff: {  	_ =	swait.ge [sflag:s18], $0x80  }
0x100: {  	[sflag:s18] =	ssyncset.done $0x0  }
0x101: {  	[sflag:s18] =	ssyncadd.s32 $0xFFFFFF80  }
0x102: {  	[hbm4b:s11+s3] =	stream.linear.scatter [tilespmem:s30], [sflag:$0x2], $0x80, $0x38;
	[tilespmem:$0x3B00] =	vst v63  }
0x103: {  	_ =	swait.ge [sflag:s18], $0x80  }
0x104: {  	[sflag:s18] =	ssyncset.done $0x0  }
0x105: {  	[sflag:s18] =	ssyncadd.s32 $0xFFFFFF80  }
0x106: {  	[hbm4b:s12+s3] =	stream.linear.scatter [tilespmem:s31], [sflag:$0x2], $0x80, $0x38;
	[tilespmem:$0x3B00] =	vst v63  }
0x107: {  	_ =	swait.ge [sflag:s18], $0x80  }
0x108: {  	p0 =	sne.s32 s15, $0x1;
	[sflag:s18] =	ssyncset.done $0x0  }
.Ltmp1:
0x109: {  	[sflag:s18] =	ssyncadd.s32 $0xFFFFFF80;
	(pc) =	sbr.rel @p0 .LBB2_2-.Ltmp1, $4  }
0x10a: {  	[hbm4b:s13+s3] =	stream.linear.scatter [tilespmem:s24], [sflag:$0x2], $0x1800, $0x38;
	[tilespmem:$0x3B00] =	vst v63  }
0x10b: {  	_ =	swait.ge [sflag:s18], $0x1800  }
0x10c: {  	[sflag:s18] =	ssyncset.done $0x0  }
0x10d: {  	s15 =	sadd.s32 $0xFFFFFFFF, s15;
	[sflag:s18] =	ssyncadd.s32 $0xFFFFE800  }
.LBB2_3:
0x10e: {  	_ =	sfence.sel $0x180000  }
0x10f: {  	[bflag:$0x0] =	sbarrier.arrive $0xFFFF  }
0x110: {  	p0 =	sne.s32 s1, $0x0;
	_ =	strace $0x90000047  }
0x111: {  	s0 =	sadd.s32 @!p0 $0x100000, s0;
	[bflag:$0x2] =	sbarrier.arrive $0xFFFF  }
0x112: {  	[sflag:s0] =	ssyncadd.tile.s32 @!p0 $0x1;
	_ =	shalt  }
.Lfunc_end2:
_tile_overlayer_lowered:
.L_overlay_start_2:
0x113: {  	(tag) =	ssettag $0x2  }
0x114: {  	s0 =	rddreg [dreg:$0x0];
	s2 =	stileid.u32  }
0x115: {  	s1 =	rddreg [dreg:$0x1];
	p0 =	sne.s32 s2, $0x0  }
0x116: {  	s3 =	rddreg [dreg:$0x2];
	[bflag:$0x3] =	sbarrier.arrive $0xFFFF;
	s2 =	simm.s32 @!p0 $0x1C02  }
0x117: {  	[timem:s3], [sflag:s2] =	dma.local @!p0 [hbm:s0], s1  }
0x118: {  	s0 =	simm.s32 @!p0 $0x2  }
0x119: {  	_ =	swait.ge @!p0 [sflag:s0], s1  }
0x11a: {  	s1 =	ssub.s32 @!p0 $0x0, s1;
	[sflag:s0] =	ssyncset.done @!p0 $0x0  }
0x11b: {  	[sflag:s0] =	ssyncadd.s32 @!p0 s1  }
0x11c: {  	[bflag:$0x3] =	sbarrier.arrive $0xFFFF  }
0x11d: {  	_ =	shalt  }

</sc_bundles>
